<compile_context>
chip_gen: v7x
topology: tpu7x:2x2x1
jax: 0.10.2.dev20260603
libtpu: 0.0.44.dev20260713+nightly
codegen_flags: <defaults>
</compile_context>

<pallas_src>
import functools

import jax
import jax.numpy as jnp
from jax import lax
from jax.experimental import pallas as pl
from jax.experimental.pallas import tpu as pltpu
from jax.experimental.pallas import tpu_sc as plsc

_D_MODEL = 768
_D_HALF = _D_MODEL // 2
_N_EXPERTS = 8
_D_FF = 1024
_D_SHARED = 1024
_AUX_COEFF = 0.01
_Z_COEFF = 0.001

_BM = 512
_BMS = 1024
_NTOK = 4096
_NBLK = _NTOK // _BM + _N_EXPERTS
_MPAD = _NBLK * _BM
_NBJ = 32


def _pack_rows(x):
    xb = x.astype(jnp.bfloat16)
    lo = lax.bitcast_convert_type(xb[:, :_D_HALF], jnp.uint16).astype(jnp.uint32)
    hi = lax.bitcast_convert_type(xb[:, _D_HALF:], jnp.uint16).astype(jnp.uint32)
    return lax.bitcast_convert_type(lo | (hi << 16), jnp.int32)


def _unpack_halves(p):
    pu = lax.bitcast_convert_type(p, jnp.uint32)
    lo = lax.bitcast_convert_type((pu & 0xFFFF).astype(jnp.uint16), jnp.bfloat16)
    hi = lax.bitcast_convert_type((pu >> 16).astype(jnp.uint16), jnp.bfloat16)
    return lo.astype(jnp.float32), hi.astype(jnp.float32)


def _unpack_rows(p):
    lo, hi = _unpack_halves(p)
    return jnp.concatenate([lo, hi], axis=1)


def _gating_body(xf_ref, wg_ref, xp_ref, dest_ref, bw_ref, bx_ref, bv_ref, loss_ref):
    n, e = _NTOK, _N_EXPERTS
    xf = xf_ref[...]
    wg = wg_ref[...]
    xbf = xf.astype(jnp.bfloat16)
    xp_ref[...] = _pack_rows(xbf)
    logits = lax.dot_general(
        xbf, wg.astype(jnp.bfloat16),
        (((1,), (0,)), ((), ())), preferred_element_type=jnp.float32)
    m = jnp.max(logits, axis=1, keepdims=True)
    ex = jnp.exp(logits - m)
    se = jnp.sum(ex, axis=1, keepdims=True)
    probs = ex / se
    lse = m + jnp.log(se)

    li = lax.broadcasted_iota(jnp.int32, (n, e), 1)
    eq = logits == m
    first = jnp.min(jnp.where(eq, li, e), axis=1, keepdims=True)
    oh = (li == first).astype(jnp.int32)

    c = oh
    k = 1
    while k < n:
        c = c + jnp.concatenate(
            [jnp.zeros((k, e), jnp.int32), c[: n - k]], axis=0)
        k *= 2
    cf = c.astype(jnp.float32)
    counts = c[n - 1 : n, :]
    nb = (counts + (_BM - 1)) // _BM
    tri = (lax.broadcasted_iota(jnp.int32, (e, e), 0)
           < lax.broadcasted_iota(jnp.int32, (e, e), 1)).astype(jnp.float32)
    offs = lax.dot_general(
        (nb * _BM).astype(jnp.float32), tri, (((1,), (0,)), ((), ())),
        preferred_element_type=jnp.float32)
    startb = lax.dot_general(
        nb.astype(jnp.float32), tri, (((1,), (0,)), ((), ())),
        preferred_element_type=jnp.float32).astype(jnp.int32)
    total = jnp.sum(nb, axis=1, keepdims=True)

    destv = jnp.sum(
        jnp.where(oh == 1, offs + cf - 1.0, 0.0),
        axis=1, keepdims=True)
    dest_ref[...] = jnp.broadcast_to(destv.astype(jnp.int32), (n, e))

    ji = lax.broadcasted_iota(jnp.int32, (_NBJ, 1), 0)
    owner = jnp.sum((ji >= startb).astype(jnp.int32), axis=1, keepdims=True) - 1
    last_owner = jnp.sum(((total - 1) >= startb).astype(jnp.int32),
                         axis=1, keepdims=True) - 1
    valid = ji < total
    bw = jnp.where(valid, owner, last_owner)
    bx = jnp.where(valid, ji, total - 1)
    bw_ref[...] = jnp.broadcast_to(bw, (_NBJ, e))
    bx_ref[...] = jnp.broadcast_to(bx, (_NBJ, e))
    bv_ref[...] = jnp.broadcast_to(valid.astype(jnp.int32), (_NBJ, e))

    fe = counts.astype(jnp.float32) / float(n)
    pe = jnp.sum(probs, axis=0, keepdims=True) / float(n)
    aux = _AUX_COEFF * float(e) * jnp.sum(fe * pe, axis=1, keepdims=True)
    z = _Z_COEFF * jnp.sum(lse * lse, axis=0, keepdims=True) / float(n)
    loss_ref[...] = aux + z


def _ffn_body(bw_ref, bx_ref, bv_ref, xs_ref, w1_ref, w3_ref, w2_ref, y_ref):
    j = pl.program_id(0)

    @pl.when(bv_ref[j] == 1)
    def _():
        xb = _unpack_rows(xs_ref[...])
        h = jnp.dot(xb, w1_ref[0], preferred_element_type=jnp.float32)
        u = jnp.dot(xb, w3_ref[0], preferred_element_type=jnp.float32)
        g = (h / (1.0 + jnp.exp(-h))) * u
        y = jnp.dot(g, w2_ref[0], preferred_element_type=jnp.float32)
        y_ref[...] = _pack_rows(y)



def _shared_body(x_ref, g_ref, w1_ref, w3_ref, w2_ref, o_ref):
    xb = _unpack_rows(x_ref[...])
    h = jnp.dot(xb, w1_ref[...], preferred_element_type=jnp.float32)
    u = jnp.dot(xb, w3_ref[...], preferred_element_type=jnp.float32)
    s = (h / (1.0 + jnp.exp(-h))) * u
    o_ref[...] = (jnp.dot(s, w2_ref[...], preferred_element_type=jnp.float32)
                  + _unpack_rows(g_ref[...]))


def _sc_scatter(xp, dest):
    info = plsc.get_sparse_core_info()
    nc, ns = info.num_cores, info.num_subcores
    nw = nc * ns
    ch = _NTOK // nw
    mesh = plsc.VectorSubcoreMesh(core_axis_name="c", subcore_axis_name="s")

    @functools.partial(
        pl.kernel,
        out_type=jax.ShapeDtypeStruct((_MPAD, _D_HALF), jnp.int32),
        mesh=mesh,
        scratch_types=[
            pltpu.VMEM((ch,), jnp.int32),
            pltpu.VMEM((ch, _D_HALF), jnp.int32),
            pltpu.SemaphoreType.DMA,
        ],
    )
    def scat(x_hbm, dest_hbm, out_hbm, idx_v, rows_v, sem):
        wid = lax.axis_index("s") * nc + lax.axis_index("c")
        base = wid * ch
        pltpu.sync_copy(dest_hbm.at[pl.ds(base, ch)], idx_v)
        pltpu.sync_copy(x_hbm.at[pl.ds(base, ch)], rows_v)
        pltpu.async_copy(rows_v, out_hbm.at[idx_v], sem).wait()

    return scat(xp, dest)


def _sc_gather(yp, dest):
    info = plsc.get_sparse_core_info()
    nc, ns = info.num_cores, info.num_subcores
    nw = nc * ns
    ch = _NTOK // nw
    mesh = plsc.VectorSubcoreMesh(core_axis_name="c", subcore_axis_name="s")

    @functools.partial(
        pl.kernel,
        out_type=jax.ShapeDtypeStruct((_NTOK, _D_HALF), jnp.int32),
        mesh=mesh,
        scratch_types=[
            pltpu.VMEM((ch,), jnp.int32),
            pltpu.VMEM((ch, _D_HALF), jnp.int32),
            pltpu.SemaphoreType.DMA,
        ],
    )
    def gath(y_hbm, dest_hbm, out_hbm, idx_v, rows_v, sem):
        wid = lax.axis_index("s") * nc + lax.axis_index("c")
        base = wid * ch
        pltpu.sync_copy(dest_hbm.at[pl.ds(base, ch)], idx_v)
        pltpu.async_copy(y_hbm.at[idx_v], rows_v, sem).wait()
        pltpu.sync_copy(rows_v, out_hbm.at[pl.ds(base, ch)])

    return gath(yp, dest)


def kernel(x, Wg, W1, W3, W2, Ws1, Ws3, Ws2):
    bx_, tx_, d = x.shape
    xf = x.reshape(bx_ * tx_, d)

    xp, dest2d, bw2d, bx2d, bv2d, loss11 = pl.pallas_call(
        _gating_body,
        out_shape=[
            jax.ShapeDtypeStruct((_NTOK, _D_HALF), jnp.int32),
            jax.ShapeDtypeStruct((_NTOK, _N_EXPERTS), jnp.int32),
            jax.ShapeDtypeStruct((_NBJ, _N_EXPERTS), jnp.int32),
            jax.ShapeDtypeStruct((_NBJ, _N_EXPERTS), jnp.int32),
            jax.ShapeDtypeStruct((_NBJ, _N_EXPERTS), jnp.int32),
            jax.ShapeDtypeStruct((1, 1), jnp.float32),
        ],
    )(xf, Wg)

    dest = dest2d[:, 0]
    bw = bw2d[:_NBLK, 0]
    bxi = bx2d[:_NBLK, 0]
    bv = bv2d[:_NBLK, 0]

    sorted_xp = _sc_scatter(xp, dest)

    grid_spec = pltpu.PrefetchScalarGridSpec(
        num_scalar_prefetch=3,
        grid=(_NBLK,),
        in_specs=[
            pl.BlockSpec((_BM, _D_HALF), lambda j, bw, bx, bv: (bx[j], 0)),
            pl.BlockSpec((1, _D_MODEL, _D_FF), lambda j, bw, bx, bv: (bw[j], 0, 0)),
            pl.BlockSpec((1, _D_MODEL, _D_FF), lambda j, bw, bx, bv: (bw[j], 0, 0)),
            pl.BlockSpec((1, _D_FF, _D_MODEL), lambda j, bw, bx, bv: (bw[j], 0, 0)),
        ],
        out_specs=pl.BlockSpec((_BM, _D_HALF), lambda j, bw, bx, bv: (bx[j], 0)),
    )
    yp = pl.pallas_call(
        _ffn_body,
        grid_spec=grid_spec,
        out_shape=jax.ShapeDtypeStruct((_MPAD, _D_HALF), jnp.int32),
        compiler_params=pltpu.CompilerParams(
            dimension_semantics=("arbitrary",)),
    )(bw, bxi, bv, sorted_xp, W1, W3, W2)

    gp = _sc_gather(yp, dest)

    out = pl.pallas_call(
        _shared_body,
        grid=(_NTOK // _BMS,),
        in_specs=[
            pl.BlockSpec((_BMS, _D_HALF), lambda i: (i, 0)),
            pl.BlockSpec((_BMS, _D_HALF), lambda i: (i, 0)),
            pl.BlockSpec((_D_MODEL, _D_SHARED), lambda i: (0, 0)),
            pl.BlockSpec((_D_MODEL, _D_SHARED), lambda i: (0, 0)),
            pl.BlockSpec((_D_SHARED, _D_MODEL), lambda i: (0, 0)),
        ],
        out_specs=pl.BlockSpec((_BMS, _D_MODEL), lambda i: (i, 0)),
        out_shape=jax.ShapeDtypeStruct((_NTOK, _D_MODEL), jnp.float32),
        compiler_params=pltpu.CompilerParams(
            dimension_semantics=("arbitrary",)),
    )(xp, gp, Ws1, Ws3, Ws2)

    return out.reshape(bx_, tx_, d), loss11[0, 0]

# --- scband reference (transcript-rebuilt; emitter-appended) ---
"""Pipeline reference for scband-mo-elayer-v2-56727928046139 (READ-ONLY COPY).

The authoritative reference and input builder live on the scoring server;
editing this copy changes nothing except your own understanding.
"""

import jax, jax.numpy as jnp
import numpy as np

D_MODEL = 768
N_EXPERTS = 8
TOP_K = 1
D_FF = 1024
D_SHARED = 1024
AUX_COEFF = 0.01
Z_COEFF = 0.001
B, T = 2, 2048


def setup_inputs(seed: int = 0) -> dict:
    key = jax.random.key(seed)
    ks = jax.random.split(key, 8)
    s = 0.02
    x = jax.random.normal(ks[0], (B, T, D_MODEL), dtype=jnp.float32)
    Wg = jax.random.normal(ks[1], (D_MODEL, N_EXPERTS), dtype=jnp.float32) * s
    W1 = jax.random.normal(ks[2], (N_EXPERTS, D_MODEL, D_FF), dtype=jnp.float32) * s
    W3 = jax.random.normal(ks[3], (N_EXPERTS, D_MODEL, D_FF), dtype=jnp.float32) * s
    W2 = jax.random.normal(ks[4], (N_EXPERTS, D_FF, D_MODEL), dtype=jnp.float32) * s
    Ws1 = jax.random.normal(ks[5], (D_MODEL, D_SHARED), dtype=jnp.float32) * s
    Ws3 = jax.random.normal(ks[6], (D_MODEL, D_SHARED), dtype=jnp.float32) * s
    Ws2 = jax.random.normal(ks[7], (D_SHARED, D_MODEL), dtype=jnp.float32) * s
    return {"x": x, "Wg": Wg, "W1": W1, "W3": W3, "W2": W2, "Ws1": Ws1, "Ws3": Ws3, "Ws2": Ws2}


def reference(x, Wg, W1, W3, W2, Ws1, Ws3, Ws2):
    Bx, Tx, D = x.shape
    xf = x.reshape(Bx * Tx, D)
    N = xf.shape[0]
    gate_logits = xf @ Wg                              # [N, E]
    scores = jax.nn.softmax(gate_logits, axis=-1)
    top_scores, top_idx = jax.lax.top_k(scores, TOP_K)  # [N, K]
    top_scores = top_scores / jnp.sum(top_scores, axis=-1, keepdims=True)
    # expert mask via scatter-overwrite (matches torch scatter_)
    rows = jnp.arange(N)[:, None]
    expert_mask = jnp.zeros((N, N_EXPERTS), dtype=xf.dtype).at[rows, top_idx].set(1.0)
    f = expert_mask.mean(0)
    p = scores.mean(0)
    aux_loss = AUX_COEFF * N_EXPERTS * jnp.sum(f * p)
    z_loss = Z_COEFF * jnp.mean(jax.nn.logsumexp(gate_logits.astype(jnp.float32), axis=-1) ** 2)
    # per-token combine weights: combine[n, e] = sum_k top_scores[n, k] * 1[top_idx[n, k] == e]
    onehot = jax.nn.one_hot(top_idx, N_EXPERTS, dtype=xf.dtype)   # [N, K, E]
    combine = jnp.einsum('nk,nke->ne', top_scores, onehot)        # [N, E]
    # expert SwiGLU FFNs; weighting by combine is mathematically identical to the
    # masked sparse dispatch loop in the torch module (weight 0 for unselected experts).
    h = jnp.einsum('nd,edi->eni', xf, W1)
    u = jnp.einsum('nd,edi->eni', xf, W3)
    eo = jnp.einsum('eni,eid->end', jax.nn.silu(h) * u, W2)       # [E, N, D]
    out = jnp.einsum('ne,end->nd', combine, eo)
    shared = (jax.nn.silu(xf @ Ws1) * (xf @ Ws3)) @ Ws2
    out = out + shared
    total_moe_loss = aux_loss + z_loss
    return out.reshape(Bx, Tx, D), total_moe_loss

if __name__ == "__main__":
    import jax
    _d = setup_inputs()
    print(jax.jit(kernel)(*tuple(_d.values())))

</pallas_src>

<mosaic_0001>
#map = affine_map<(d0, d1) -> (0, 0)>
#map1 = affine_map<(d0, d1) -> (0)>
module attributes {stable_mosaic.version = 14 : i64} {
  func.func @gath(%arg0: i32, %arg1: i32, %arg2: memref<8192x384xi32, #tpu.memory_space<hbm>>, %arg3: memref<4096xi32, #tpu.memory_space<hbm>>, %arg4: memref<4096x384xi32, #tpu.memory_space<hbm>>, %arg5: memref<128xi32, #tpu.memory_space<vmem>>, %arg6: memref<128x384xi32, #tpu.memory_space<vmem>>, %arg7: memref<!tpu.dma_semaphore, #tpu.memory_space<semaphore_mem>>) attributes {dimension_semantics = [#tpu.dimension_semantics<core_parallel>, #tpu.dimension_semantics<subcore_parallel>], iteration_bounds = array<i64: 2, 16>, scalar_prefetch = 0 : i64, scratch_operands = 3 : i64, tpu.core_type = #tpu.core_type<sc_vector_subcore>, window_params = [{transform_indices = #map}, {transform_indices = #map1}, {transform_indices = #map}]} {
    %mul3A = arith.constant 2 : i32
    %mul3A_0 = arith.muli %arg1, %mul3A : i32
    %add3A = arith.addi %mul3A_0, %arg0 : i32
    %mul3A_1 = arith.constant 128 : i32
    %mul3A_2 = arith.muli %add3A, %mul3A_1 : i32
    "tpu.region"() ({
      %run_scoped3A = tpu.sem_alloc : memref<!tpu.dma_semaphore, #tpu.memory_space<semaphore_mem>>
      %dma_start3A_7 = tpu.memref_slice %arg3[%mul3A_2] : memref<4096xi32, #tpu.memory_space<hbm>> -> memref<128xi32, #tpu.memory_space<hbm>>
      %dma_start3A_8 = tpu.memref_slice %arg3[%mul3A_2] : memref<4096xi32, #tpu.memory_space<hbm>> -> memref<128xi32, #tpu.memory_space<hbm>>
      tpu.enqueue_dma source(%dma_start3A_8 : memref<128xi32, #tpu.memory_space<hbm>>) target(%arg5 : memref<128xi32, #tpu.memory_space<vmem>>) target_semaphore(%run_scoped3A : memref<!tpu.dma_semaphore, #tpu.memory_space<semaphore_mem>>)
      %dma_wait3A_9 = tpu.memref_slice %arg3[%mul3A_2] : memref<4096xi32, #tpu.memory_space<hbm>> -> memref<128xi32, #tpu.memory_space<hbm>>
      %dma_wait3A_10 = tpu.memref_slice %arg3[%mul3A_2] : memref<4096xi32, #tpu.memory_space<hbm>> -> memref<128xi32, #tpu.memory_space<hbm>>
      tpu.wait_dma2 semaphore(%run_scoped3A : memref<!tpu.dma_semaphore, #tpu.memory_space<semaphore_mem>>) src(%dma_wait3A_10 : memref<128xi32, #tpu.memory_space<hbm>>) dst(%arg5 : memref<128xi32, #tpu.memory_space<vmem>>)
      tpu.yield
    }) : () -> ()
    %dma_start3A = arith.constant 0 : i32
    %dma_start3A_3 = arith.constant 0 : i32
    %dma_start3A_4 = tpu.memref_slice %arg2[%dma_start3A, %dma_start3A_3] : memref<8192x384xi32, #tpu.memory_space<hbm>> -> memref<8192x384xi32, #tpu.memory_space<hbm>>
    tpu.enqueue_indirect_dma source(%dma_start3A_4 : memref<8192x384xi32, #tpu.memory_space<hbm>>) target(%arg6 : memref<128x384xi32, #tpu.memory_space<vmem>>) offsets(%arg5 : memref<128xi32, #tpu.memory_space<vmem>>) semaphore(%arg7 : memref<!tpu.dma_semaphore, #tpu.memory_space<semaphore_mem>>)
    %dma_wait3A = arith.constant 0 : i32
    %dma_wait3A_5 = arith.constant 0 : i32
    %dma_wait3A_6 = tpu.memref_slice %arg2[%dma_wait3A, %dma_wait3A_5] : memref<8192x384xi32, #tpu.memory_space<hbm>> -> memref<8192x384xi32, #tpu.memory_space<hbm>>
    tpu.wait_indirect_dma semaphore(%arg7 : memref<!tpu.dma_semaphore, #tpu.memory_space<semaphore_mem>>) src(%dma_wait3A_6 : memref<8192x384xi32, #tpu.memory_space<hbm>>) dst(%arg6 : memref<128x384xi32, #tpu.memory_space<vmem>>)
    "tpu.region"() ({
      %run_scoped3A = tpu.sem_alloc : memref<!tpu.dma_semaphore, #tpu.memory_space<semaphore_mem>>
      %dma_start3A_7 = arith.constant 0 : i32
      %dma_start3A_8 = tpu.memref_slice %arg4[%mul3A_2, %dma_start3A_7] : memref<4096x384xi32, #tpu.memory_space<hbm>> -> memref<128x384xi32, #tpu.memory_space<hbm>>
      %dma_start3A_9 = arith.constant 0 : i32
      %dma_start3A_10 = tpu.memref_slice %arg4[%mul3A_2, %dma_start3A_9] : memref<4096x384xi32, #tpu.memory_space<hbm>> -> memref<128x384xi32, #tpu.memory_space<hbm>>
      tpu.enqueue_dma source(%arg6 : memref<128x384xi32, #tpu.memory_space<vmem>>) target(%dma_start3A_10 : memref<128x384xi32, #tpu.memory_space<hbm>>) target_semaphore(%run_scoped3A : memref<!tpu.dma_semaphore, #tpu.memory_space<semaphore_mem>>)
      %dma_wait3A_11 = arith.constant 0 : i32
      %dma_wait3A_12 = tpu.memref_slice %arg4[%mul3A_2, %dma_wait3A_11] : memref<4096x384xi32, #tpu.memory_space<hbm>> -> memref<128x384xi32, #tpu.memory_space<hbm>>
      %dma_wait3A_13 = arith.constant 0 : i32
      %dma_wait3A_14 = tpu.memref_slice %arg4[%mul3A_2, %dma_wait3A_13] : memref<4096x384xi32, #tpu.memory_space<hbm>> -> memref<128x384xi32, #tpu.memory_space<hbm>>
      tpu.wait_dma2 semaphore(%run_scoped3A : memref<!tpu.dma_semaphore, #tpu.memory_space<semaphore_mem>>) src(%arg6 : memref<128x384xi32, #tpu.memory_space<vmem>>) dst(%dma_wait3A_14 : memref<128x384xi32, #tpu.memory_space<hbm>>)
      tpu.yield
    }) : () -> ()
    return
  }
}

#map = affine_map<(d0, d1) -> (0, 0)>
#map1 = affine_map<(d0, d1) -> (0)>
module attributes {stable_mosaic.version = 14 : i64} {
  func.func @scat(%arg0: i32, %arg1: i32, %arg2: memref<4096x384xi32, #tpu.memory_space<hbm>>, %arg3: memref<4096xi32, #tpu.memory_space<hbm>>, %arg4: memref<8192x384xi32, #tpu.memory_space<hbm>>, %arg5: memref<128xi32, #tpu.memory_space<vmem>>, %arg6: memref<128x384xi32, #tpu.memory_space<vmem>>, %arg7: memref<!tpu.dma_semaphore, #tpu.memory_space<semaphore_mem>>) attributes {dimension_semantics = [#tpu.dimension_semantics<core_parallel>, #tpu.dimension_semantics<subcore_parallel>], iteration_bounds = array<i64: 2, 16>, scalar_prefetch = 0 : i64, scratch_operands = 3 : i64, tpu.core_type = #tpu.core_type<sc_vector_subcore>, window_params = [{transform_indices = #map}, {transform_indices = #map1}, {transform_indices = #map}]} {
    %mul3A = arith.constant 2 : i32
    %mul3A_0 = arith.muli %arg1, %mul3A : i32
    %add3A = arith.addi %mul3A_0, %arg0 : i32
    %mul3A_1 = arith.constant 128 : i32
    %mul3A_2 = arith.muli %add3A, %mul3A_1 : i32
    "tpu.region"() ({
      %run_scoped3A = tpu.sem_alloc : memref<!tpu.dma_semaphore, #tpu.memory_space<semaphore_mem>>
      %dma_start3A_7 = tpu.memref_slice %arg3[%mul3A_2] : memref<4096xi32, #tpu.memory_space<hbm>> -> memref<128xi32, #tpu.memory_space<hbm>>
      %dma_start3A_8 = tpu.memref_slice %arg3[%mul3A_2] : memref<4096xi32, #tpu.memory_space<hbm>> -> memref<128xi32, #tpu.memory_space<hbm>>
      tpu.enqueue_dma source(%dma_start3A_8 : memref<128xi32, #tpu.memory_space<hbm>>) target(%arg5 : memref<128xi32, #tpu.memory_space<vmem>>) target_semaphore(%run_scoped3A : memref<!tpu.dma_semaphore, #tpu.memory_space<semaphore_mem>>)
      %dma_wait3A_9 = tpu.memref_slice %arg3[%mul3A_2] : memref<4096xi32, #tpu.memory_space<hbm>> -> memref<128xi32, #tpu.memory_space<hbm>>
      %dma_wait3A_10 = tpu.memref_slice %arg3[%mul3A_2] : memref<4096xi32, #tpu.memory_space<hbm>> -> memref<128xi32, #tpu.memory_space<hbm>>
      tpu.wait_dma2 semaphore(%run_scoped3A : memref<!tpu.dma_semaphore, #tpu.memory_space<semaphore_mem>>) src(%dma_wait3A_10 : memref<128xi32, #tpu.memory_space<hbm>>) dst(%arg5 : memref<128xi32, #tpu.memory_space<vmem>>)
      tpu.yield
    }) : () -> ()
    "tpu.region"() ({
      %run_scoped3A = tpu.sem_alloc : memref<!tpu.dma_semaphore, #tpu.memory_space<semaphore_mem>>
      %dma_start3A_7 = arith.constant 0 : i32
      %dma_start3A_8 = tpu.memref_slice %arg2[%mul3A_2, %dma_start3A_7] : memref<4096x384xi32, #tpu.memory_space<hbm>> -> memref<128x384xi32, #tpu.memory_space<hbm>>
      %dma_start3A_9 = arith.constant 0 : i32
      %dma_start3A_10 = tpu.memref_slice %arg2[%mul3A_2, %dma_start3A_9] : memref<4096x384xi32, #tpu.memory_space<hbm>> -> memref<128x384xi32, #tpu.memory_space<hbm>>
      tpu.enqueue_dma source(%dma_start3A_10 : memref<128x384xi32, #tpu.memory_space<hbm>>) target(%arg6 : memref<128x384xi32, #tpu.memory_space<vmem>>) target_semaphore(%run_scoped3A : memref<!tpu.dma_semaphore, #tpu.memory_space<semaphore_mem>>)
      %dma_wait3A_11 = arith.constant 0 : i32
      %dma_wait3A_12 = tpu.memref_slice %arg2[%mul3A_2, %dma_wait3A_11] : memref<4096x384xi32, #tpu.memory_space<hbm>> -> memref<128x384xi32, #tpu.memory_space<hbm>>
      %dma_wait3A_13 = arith.constant 0 : i32
      %dma_wait3A_14 = tpu.memref_slice %arg2[%mul3A_2, %dma_wait3A_13] : memref<4096x384xi32, #tpu.memory_space<hbm>> -> memref<128x384xi32, #tpu.memory_space<hbm>>
      tpu.wait_dma2 semaphore(%run_scoped3A : memref<!tpu.dma_semaphore, #tpu.memory_space<semaphore_mem>>) src(%dma_wait3A_14 : memref<128x384xi32, #tpu.memory_space<hbm>>) dst(%arg6 : memref<128x384xi32, #tpu.memory_space<vmem>>)
      tpu.yield
    }) : () -> ()
    %dma_start3A = arith.constant 0 : i32
    %dma_start3A_3 = arith.constant 0 : i32
    %dma_start3A_4 = tpu.memref_slice %arg4[%dma_start3A, %dma_start3A_3] : memref<8192x384xi32, #tpu.memory_space<hbm>> -> memref<8192x384xi32, #tpu.memory_space<hbm>>
    tpu.enqueue_indirect_dma source(%arg6 : memref<128x384xi32, #tpu.memory_space<vmem>>) target(%dma_start3A_4 : memref<8192x384xi32, #tpu.memory_space<hbm>>) offsets(%arg5 : memref<128xi32, #tpu.memory_space<vmem>>) semaphore(%arg7 : memref<!tpu.dma_semaphore, #tpu.memory_space<semaphore_mem>>)
    %dma_wait3A = arith.constant 0 : i32
    %dma_wait3A_5 = arith.constant 0 : i32
    %dma_wait3A_6 = tpu.memref_slice %arg4[%dma_wait3A, %dma_wait3A_5] : memref<8192x384xi32, #tpu.memory_space<hbm>> -> memref<8192x384xi32, #tpu.memory_space<hbm>>
    tpu.wait_indirect_dma semaphore(%arg7 : memref<!tpu.dma_semaphore, #tpu.memory_space<semaphore_mem>>) src(%arg6 : memref<128x384xi32, #tpu.memory_space<vmem>>) dst(%dma_wait3A_6 : memref<8192x384xi32, #tpu.memory_space<hbm>>)
    return
  }
}

module attributes {stable_mosaic.version = 14 : i64} {
  func.func @_shared_body(%arg0: i32, %arg1: memref<1024x384xi32, #tpu.memory_space<vmem>>, %arg2: memref<1024x384xi32, #tpu.memory_space<vmem>>, %arg3: memref<768x1024xf32, #tpu.memory_space<vmem>>, %arg4: memref<768x1024xf32, #tpu.memory_space<vmem>>, %arg5: memref<1024x768xf32, #tpu.memory_space<vmem>>, %arg6: memref<1024x768xf32, #tpu.memory_space<vmem>>) attributes {dimension_semantics = [#tpu.dimension_semantics<arbitrary>], iteration_bounds = array<i64: 4>, scalar_prefetch = 0 : i64, scratch_operands = 0 : i64, tpu.core_type = #tpu.core_type<tc>, window_params = [{transform_indices = @transform_0, window_bounds = array<i64: 1024, 384>}, {transform_indices = @transform_1, window_bounds = array<i64: 1024, 384>}, {pipeline_mode = #tpu.pipeline_mode<synchronous>, transform_indices = @transform_2, window_bounds = array<i64: 768, 1024>}, {pipeline_mode = #tpu.pipeline_mode<synchronous>, transform_indices = @transform_3, window_bounds = array<i64: 768, 1024>}, {pipeline_mode = #tpu.pipeline_mode<synchronous>, transform_indices = @transform_4, window_bounds = array<i64: 1024, 768>}, {transform_indices = @transform_5, window_bounds = array<i64: 1024, 768>}]} {
    %get3A = arith.constant 0 : index
    %get3A_0 = arith.constant 0 : index
    %get3A_1 = vector.load %arg1[%get3A, %get3A_0] : memref<1024x384xi32, #tpu.memory_space<vmem>>, vector<1024x384xi32>
    %bitcast_convert_type3A = tpu.bitcast %get3A_1 : vector<1024x384xi32> -> vector<1024x384xi32>
    %and3A = arith.constant 65535 : i32
    %and3A_2 = vector.broadcast %and3A : i32 to vector<1024x384xi32>
    %and3A_3 = arith.andi %bitcast_convert_type3A, %and3A_2 : vector<1024x384xi32>
    %convert_element_type3A = arith.trunci %and3A_3 : vector<1024x384xi32> to vector<1024x384xi16>
    %bitcast_convert_type3A_4 = tpu.bitcast %convert_element_type3A : vector<1024x384xi16> -> vector<1024x384xbf16>
    %shift_right_logical3A = arith.constant 16 : i32
    %shift_right_logical3A_5 = vector.broadcast %shift_right_logical3A : i32 to vector<1024x384xi32>
    %shift_right_logical3A_6 = arith.shrui %bitcast_convert_type3A, %shift_right_logical3A_5 : vector<1024x384xi32>
    %convert_element_type3A_7 = arith.trunci %shift_right_logical3A_6 : vector<1024x384xi32> to vector<1024x384xi16>
    %bitcast_convert_type3A_8 = tpu.bitcast %convert_element_type3A_7 : vector<1024x384xi16> -> vector<1024x384xbf16>
    %convert_element_type3A_9 = arith.extf %bitcast_convert_type3A_4 : vector<1024x384xbf16> to vector<1024x384xf32>
    %convert_element_type3A_10 = arith.extf %bitcast_convert_type3A_8 : vector<1024x384xbf16> to vector<1024x384xf32>
    %concatenate3A = tpu.concatenate %convert_element_type3A_9, %convert_element_type3A_10 in 1 : vector<1024x384xf32>, vector<1024x384xf32> -> vector<1024x768xf32>
    %get3A_11 = arith.constant 0 : index
    %get3A_12 = arith.constant 0 : index
    %get3A_13 = vector.load %arg3[%get3A_11, %get3A_12] : memref<768x1024xf32, #tpu.memory_space<vmem>>, vector<768x1024xf32>
    %dot_general3A = arith.constant dense<0.000000e+00> : vector<1024x1024xf32>
    %dot_general3A_14 = tpu.matmul %concatenate3A, %get3A_13, %dot_general3A {dimension_numbers = #tpu.dot_dimension_numbers<[1], [0], [0], [1], [0, 0, 1, 1], [], []>, transpose_lhs_hint = false} : vector<1024x768xf32>, vector<768x1024xf32>, vector<1024x1024xf32> -> vector<1024x1024xf32>
    %get3A_15 = arith.constant 0 : index
    %get3A_16 = arith.constant 0 : index
    %get3A_17 = vector.load %arg4[%get3A_15, %get3A_16] : memref<768x1024xf32, #tpu.memory_space<vmem>>, vector<768x1024xf32>
    %dot_general3A_18 = arith.constant dense<0.000000e+00> : vector<1024x1024xf32>
    %dot_general3A_19 = tpu.matmul %concatenate3A, %get3A_17, %dot_general3A_18 {dimension_numbers = #tpu.dot_dimension_numbers<[1], [0], [0], [1], [0, 0, 1, 1], [], []>, transpose_lhs_hint = false} : vector<1024x768xf32>, vector<768x1024xf32>, vector<1024x1024xf32> -> vector<1024x1024xf32>
    %neg3A = arith.constant 0.000000e+00 : f32
    %neg3A_20 = vector.broadcast %neg3A : f32 to vector<1024x1024xf32>
    %neg3A_21 = arith.subf %neg3A_20, %dot_general3A_14 : vector<1024x1024xf32>
    %exp3A = math.exp %neg3A_21 : vector<1024x1024xf32>
    %add3A = arith.constant 1.000000e+00 : f32
    %add3A_22 = vector.broadcast %add3A : f32 to vector<1024x1024xf32>
    %add3A_23 = arith.addf %add3A_22, %exp3A : vector<1024x1024xf32>
    %div3A = arith.divf %dot_general3A_14, %add3A_23 : vector<1024x1024xf32>
    %mul3A = arith.mulf %div3A, %dot_general3A_19 : vector<1024x1024xf32>
    %get3A_24 = arith.constant 0 : index
    %get3A_25 = arith.constant 0 : index
    %get3A_26 = vector.load %arg5[%get3A_24, %get3A_25] : memref<1024x768xf32, #tpu.memory_space<vmem>>, vector<1024x768xf32>
    %dot_general3A_27 = arith.constant dense<0.000000e+00> : vector<1024x768xf32>
    %dot_general3A_28 = tpu.matmul %mul3A, %get3A_26, %dot_general3A_27 {dimension_numbers = #tpu.dot_dimension_numbers<[1], [0], [0], [1], [0, 0, 1, 1], [], []>, transpose_lhs_hint = false} : vector<1024x1024xf32>, vector<1024x768xf32>, vector<1024x768xf32> -> vector<1024x768xf32>
    %get3A_29 = arith.constant 0 : index
    %get3A_30 = arith.constant 0 : index
    %get3A_31 = vector.load %arg2[%get3A_29, %get3A_30] : memref<1024x384xi32, #tpu.memory_space<vmem>>, vector<1024x384xi32>
    %bitcast_convert_type3A_32 = tpu.bitcast %get3A_31 : vector<1024x384xi32> -> vector<1024x384xi32>
    %and3A_33 = arith.constant 65535 : i32
    %and3A_34 = vector.broadcast %and3A_33 : i32 to vector<1024x384xi32>
    %and3A_35 = arith.andi %bitcast_convert_type3A_32, %and3A_34 : vector<1024x384xi32>
    %convert_element_type3A_36 = arith.trunci %and3A_35 : vector<1024x384xi32> to vector<1024x384xi16>
    %bitcast_convert_type3A_37 = tpu.bitcast %convert_element_type3A_36 : vector<1024x384xi16> -> vector<1024x384xbf16>
    %shift_right_logical3A_38 = arith.constant 16 : i32
    %shift_right_logical3A_39 = vector.broadcast %shift_right_logical3A_38 : i32 to vector<1024x384xi32>
    %shift_right_logical3A_40 = arith.shrui %bitcast_convert_type3A_32, %shift_right_logical3A_39 : vector<1024x384xi32>
    %convert_element_type3A_41 = arith.trunci %shift_right_logical3A_40 : vector<1024x384xi32> to vector<1024x384xi16>
    %bitcast_convert_type3A_42 = tpu.bitcast %convert_element_type3A_41 : vector<1024x384xi16> -> vector<1024x384xbf16>
    %convert_element_type3A_43 = arith.extf %bitcast_convert_type3A_37 : vector<1024x384xbf16> to vector<1024x384xf32>
    %convert_element_type3A_44 = arith.extf %bitcast_convert_type3A_42 : vector<1024x384xbf16> to vector<1024x384xf32>
    %concatenate3A_45 = tpu.concatenate %convert_element_type3A_43, %convert_element_type3A_44 in 1 : vector<1024x384xf32>, vector<1024x384xf32> -> vector<1024x768xf32>
    %add3A_46 = arith.addf %dot_general3A_28, %concatenate3A_45 : vector<1024x768xf32>
    %swap3A = arith.constant 0 : index
    %swap3A_47 = arith.constant 0 : index
    %swap3A_48 = vector.load %arg6[%swap3A, %swap3A_47] : memref<1024x768xf32, #tpu.memory_space<vmem>>, vector<1024x768xf32>
    tpu.vector_store %arg6[%swap3A, %swap3A_47], %add3A_46 {strides = array<i32>} : memref<1024x768xf32, #tpu.memory_space<vmem>>, vector<1024x768xf32>,
    return
  }
  func.func @transform_0(%arg0: i32) -> (i32, i32) {
    %c0_i32 = arith.constant 0 : i32
    %c0_i32_0 = arith.constant 0 : i32
    return %arg0, %c0_i32 : i32, i32
  }
  func.func @transform_1(%arg0: i32) -> (i32, i32) {
    %c0_i32 = arith.constant 0 : i32
    %c0_i32_0 = arith.constant 0 : i32
    return %arg0, %c0_i32 : i32, i32
  }
  func.func @transform_2(%arg0: i32) -> (i32, i32) {
    %c0_i32 = arith.constant 0 : i32
    %c0_i32_0 = arith.constant 0 : i32
    %c0_i32_1 = arith.constant 0 : i32
    return %c0_i32, %c0_i32_0 : i32, i32
  }
  func.func @transform_3(%arg0: i32) -> (i32, i32) {
    %c0_i32 = arith.constant 0 : i32
    %c0_i32_0 = arith.constant 0 : i32
    %c0_i32_1 = arith.constant 0 : i32
    return %c0_i32, %c0_i32_0 : i32, i32
  }
  func.func @transform_4(%arg0: i32) -> (i32, i32) {
    %c0_i32 = arith.constant 0 : i32
    %c0_i32_0 = arith.constant 0 : i32
    %c0_i32_1 = arith.constant 0 : i32
    return %c0_i32, %c0_i32_0 : i32, i32
  }
  func.func @transform_5(%arg0: i32) -> (i32, i32) {
    %c0_i32 = arith.constant 0 : i32
    %c0_i32_0 = arith.constant 0 : i32
    return %arg0, %c0_i32 : i32, i32
  }
}

module attributes {stable_mosaic.version = 14 : i64} {
  func.func @_ffn_body(%arg0: i32, %arg1: memref<16xi32, #tpu.memory_space<smem>>, %arg2: memref<16xi32, #tpu.memory_space<smem>>, %arg3: memref<16xi32, #tpu.memory_space<smem>>, %arg4: memref<512x384xi32, #tpu.memory_space<vmem>>, %arg5: memref<1x768x1024xf32, #tpu.memory_space<vmem>>, %arg6: memref<1x768x1024xf32, #tpu.memory_space<vmem>>, %arg7: memref<1x1024x768xf32, #tpu.memory_space<vmem>>, %arg8: memref<512x384xi32, #tpu.memory_space<vmem>>) attributes {dimension_semantics = [#tpu.dimension_semantics<arbitrary>], iteration_bounds = array<i64: 16>, scalar_prefetch = 3 : i64, scratch_operands = 0 : i64, tpu.core_type = #tpu.core_type<tc>, window_params = [{transform_indices = @transform_0, window_bounds = array<i64: 512, 384>}, {transform_indices = @transform_1, window_bounds = array<i64: 1, 768, 1024>}, {transform_indices = @transform_2, window_bounds = array<i64: 1, 768, 1024>}, {transform_indices = @transform_3, window_bounds = array<i64: 1, 1024, 768>}, {transform_indices = @transform_4, window_bounds = array<i64: 512, 384>}]} {
    %get3A = arith.index_cast %arg0 : i32 to index
    %get3A_0 = memref.load %arg3[%get3A] : memref<16xi32, #tpu.memory_space<smem>>
    %eq3A = arith.constant 1 : i32
    %eq3A_1 = arith.cmpi eq, %get3A_0, %eq3A : i32
    %convert_element_type3A = arith.extui %eq3A_1 : i1 to i32
    %cond3A = arith.constant 0 : i32
    %cond3A_2 = arith.cmpi ne, %convert_element_type3A, %cond3A : i32
    scf.if %cond3A_2 {
      %get3A_3 = arith.constant 0 : index
      %get3A_4 = arith.constant 0 : index
      %get3A_5 = vector.load %arg4[%get3A_3, %get3A_4] : memref<512x384xi32, #tpu.memory_space<vmem>>, vector<512x384xi32>
      %bitcast_convert_type3A = tpu.bitcast %get3A_5 : vector<512x384xi32> -> vector<512x384xi32>
      %and3A = arith.constant 65535 : i32
      %and3A_6 = vector.broadcast %and3A : i32 to vector<512x384xi32>
      %and3A_7 = arith.andi %bitcast_convert_type3A, %and3A_6 : vector<512x384xi32>
      %convert_element_type3A_8 = arith.trunci %and3A_7 : vector<512x384xi32> to vector<512x384xi16>
      %bitcast_convert_type3A_9 = tpu.bitcast %convert_element_type3A_8 : vector<512x384xi16> -> vector<512x384xbf16>
      %shift_right_logical3A = arith.constant 16 : i32
      %shift_right_logical3A_10 = vector.broadcast %shift_right_logical3A : i32 to vector<512x384xi32>
      %shift_right_logical3A_11 = arith.shrui %bitcast_convert_type3A, %shift_right_logical3A_10 : vector<512x384xi32>
      %convert_element_type3A_12 = arith.trunci %shift_right_logical3A_11 : vector<512x384xi32> to vector<512x384xi16>
      %bitcast_convert_type3A_13 = tpu.bitcast %convert_element_type3A_12 : vector<512x384xi16> -> vector<512x384xbf16>
      %convert_element_type3A_14 = arith.extf %bitcast_convert_type3A_9 : vector<512x384xbf16> to vector<512x384xf32>
      %convert_element_type3A_15 = arith.extf %bitcast_convert_type3A_13 : vector<512x384xbf16> to vector<512x384xf32>
      %concatenate3A = tpu.concatenate %convert_element_type3A_14, %convert_element_type3A_15 in 1 : vector<512x384xf32>, vector<512x384xf32> -> vector<512x768xf32>
      %get3A_16 = arith.constant 0 : index
      %get3A_17 = arith.constant 0 : index
      %get3A_18 = arith.constant 0 : index
      %get3A_19 = vector.load %arg5[%get3A_16, %get3A_17, %get3A_18] : memref<1x768x1024xf32, #tpu.memory_space<vmem>>, vector<1x768x1024xf32>
      %get3A_20 = vector.shape_cast %get3A_19 : vector<1x768x1024xf32> to vector<768x1024xf32>
      %dot_general3A = arith.constant dense<0.000000e+00> : vector<512x1024xf32>
      %dot_general3A_21 = tpu.matmul %concatenate3A, %get3A_20, %dot_general3A {dimension_numbers = #tpu.dot_dimension_numbers<[1], [0], [0], [1], [0, 0, 1, 1], [], []>, transpose_lhs_hint = false} : vector<512x768xf32>, vector<768x1024xf32>, vector<512x1024xf32> -> vector<512x1024xf32>
      %get3A_22 = arith.constant 0 : index
      %get3A_23 = arith.constant 0 : index
      %get3A_24 = arith.constant 0 : index
      %get3A_25 = vector.load %arg6[%get3A_22, %get3A_23, %get3A_24] : memref<1x768x1024xf32, #tpu.memory_space<vmem>>, vector<1x768x1024xf32>
      %get3A_26 = vector.shape_cast %get3A_25 : vector<1x768x1024xf32> to vector<768x1024xf32>
      %dot_general3A_27 = arith.constant dense<0.000000e+00> : vector<512x1024xf32>
      %dot_general3A_28 = tpu.matmul %concatenate3A, %get3A_26, %dot_general3A_27 {dimension_numbers = #tpu.dot_dimension_numbers<[1], [0], [0], [1], [0, 0, 1, 1], [], []>, transpose_lhs_hint = false} : vector<512x768xf32>, vector<768x1024xf32>, vector<512x1024xf32> -> vector<512x1024xf32>
      %neg3A = arith.constant 0.000000e+00 : f32
      %neg3A_29 = vector.broadcast %neg3A : f32 to vector<512x1024xf32>
      %neg3A_30 = arith.subf %neg3A_29, %dot_general3A_21 : vector<512x1024xf32>
      %exp3A = math.exp %neg3A_30 : vector<512x1024xf32>
      %add3A = arith.constant 1.000000e+00 : f32
      %add3A_31 = vector.broadcast %add3A : f32 to vector<512x1024xf32>
      %add3A_32 = arith.addf %add3A_31, %exp3A : vector<512x1024xf32>
      %div3A = arith.divf %dot_general3A_21, %add3A_32 : vector<512x1024xf32>
      %mul3A = arith.mulf %div3A, %dot_general3A_28 : vector<512x1024xf32>
      %get3A_33 = arith.constant 0 : index
      %get3A_34 = arith.constant 0 : index
      %get3A_35 = arith.constant 0 : index
      %get3A_36 = vector.load %arg7[%get3A_33, %get3A_34, %get3A_35] : memref<1x1024x768xf32, #tpu.memory_space<vmem>>, vector<1x1024x768xf32>
      %get3A_37 = vector.shape_cast %get3A_36 : vector<1x1024x768xf32> to vector<1024x768xf32>
      %dot_general3A_38 = arith.constant dense<0.000000e+00> : vector<512x768xf32>
      %dot_general3A_39 = tpu.matmul %mul3A, %get3A_37, %dot_general3A_38 {dimension_numbers = #tpu.dot_dimension_numbers<[1], [0], [0], [1], [0, 0, 1, 1], [], []>, transpose_lhs_hint = false} : vector<512x1024xf32>, vector<1024x768xf32>, vector<512x768xf32> -> vector<512x768xf32>
      %convert_element_type3A_40 = arith.truncf %dot_general3A_39 : vector<512x768xf32> to vector<512x768xbf16>
      %slice3A = vector.extract_strided_slice %convert_element_type3A_40 {offsets = [0, 0], sizes = [512, 384], strides = [1, 1]} : vector<512x768xbf16> to vector<512x384xbf16>
      %bitcast_convert_type3A_41 = tpu.bitcast %slice3A : vector<512x384xbf16> -> vector<512x384xi16>
      %convert_element_type3A_42 = arith.extui %bitcast_convert_type3A_41 : vector<512x384xi16> to vector<512x384xi32>
      %slice3A_43 = vector.extract_strided_slice %convert_element_type3A_40 {offsets = [0, 384], sizes = [512, 384], strides = [1, 1]} : vector<512x768xbf16> to vector<512x384xbf16>
      %bitcast_convert_type3A_44 = tpu.bitcast %slice3A_43 : vector<512x384xbf16> -> vector<512x384xi16>
      %convert_element_type3A_45 = arith.extui %bitcast_convert_type3A_44 : vector<512x384xi16> to vector<512x384xi32>
      %shift_left3A = arith.constant 16 : i32
      %shift_left3A_46 = vector.broadcast %shift_left3A : i32 to vector<512x384xi32>
      %shift_left3A_47 = arith.shli %convert_element_type3A_45, %shift_left3A_46 : vector<512x384xi32>
      %or3A = arith.ori %convert_element_type3A_42, %shift_left3A_47 : vector<512x384xi32>
      %bitcast_convert_type3A_48 = tpu.bitcast %or3A : vector<512x384xi32> -> vector<512x384xi32>
      %swap3A = arith.constant 0 : index
      %swap3A_49 = arith.constant 0 : index
      %swap3A_50 = vector.load %arg8[%swap3A, %swap3A_49] : memref<512x384xi32, #tpu.memory_space<vmem>>, vector<512x384xi32>
      tpu.vector_store %arg8[%swap3A, %swap3A_49], %bitcast_convert_type3A_48 {strides = array<i32>} : memref<512x384xi32, #tpu.memory_space<vmem>>, vector<512x384xi32>,
    } else {
    }
    return
  }
  func.func @transform_0(%arg0: i32, %arg1: memref<16xi32, #tpu.memory_space<smem>>, %arg2: memref<16xi32, #tpu.memory_space<smem>>, %arg3: memref<16xi32, #tpu.memory_space<smem>>) -> (i32, i32) {
    %get3A = arith.index_cast %arg0 : i32 to index
    %get3A_0 = memref.load %arg2[%get3A] : memref<16xi32, #tpu.memory_space<smem>>
    %c0_i32 = arith.constant 0 : i32
    %c0_i32_1 = arith.constant 0 : i32
    return %get3A_0, %c0_i32 : i32, i32
  }
  func.func @transform_1(%arg0: i32, %arg1: memref<16xi32, #tpu.memory_space<smem>>, %arg2: memref<16xi32, #tpu.memory_space<smem>>, %arg3: memref<16xi32, #tpu.memory_space<smem>>) -> (i32, i32, i32) {
    %get3A = arith.index_cast %arg0 : i32 to index
    %get3A_0 = memref.load %arg1[%get3A] : memref<16xi32, #tpu.memory_space<smem>>
    %c0_i32 = arith.constant 0 : i32
    %c0_i32_1 = arith.constant 0 : i32
    %c0_i32_2 = arith.constant 0 : i32
    return %get3A_0, %c0_i32, %c0_i32_1 : i32, i32, i32
  }
  func.func @transform_2(%arg0: i32, %arg1: memref<16xi32, #tpu.memory_space<smem>>, %arg2: memref<16xi32, #tpu.memory_space<smem>>, %arg3: memref<16xi32, #tpu.memory_space<smem>>) -> (i32, i32, i32) {
    %get3A = arith.index_cast %arg0 : i32 to index
    %get3A_0 = memref.load %arg1[%get3A] : memref<16xi32, #tpu.memory_space<smem>>
    %c0_i32 = arith.constant 0 : i32
    %c0_i32_1 = arith.constant 0 : i32
    %c0_i32_2 = arith.constant 0 : i32
    return %get3A_0, %c0_i32, %c0_i32_1 : i32, i32, i32
  }
  func.func @transform_3(%arg0: i32, %arg1: memref<16xi32, #tpu.memory_space<smem>>, %arg2: memref<16xi32, #tpu.memory_space<smem>>, %arg3: memref<16xi32, #tpu.memory_space<smem>>) -> (i32, i32, i32) {
    %get3A = arith.index_cast %arg0 : i32 to index
    %get3A_0 = memref.load %arg1[%get3A] : memref<16xi32, #tpu.memory_space<smem>>
    %c0_i32 = arith.constant 0 : i32
    %c0_i32_1 = arith.constant 0 : i32
    %c0_i32_2 = arith.constant 0 : i32
    return %get3A_0, %c0_i32, %c0_i32_1 : i32, i32, i32
  }
  func.func @transform_4(%arg0: i32, %arg1: memref<16xi32, #tpu.memory_space<smem>>, %arg2: memref<16xi32, #tpu.memory_space<smem>>, %arg3: memref<16xi32, #tpu.memory_space<smem>>) -> (i32, i32) {
    %get3A = arith.index_cast %arg0 : i32 to index
    %get3A_0 = memref.load %arg2[%get3A] : memref<16xi32, #tpu.memory_space<smem>>
    %c0_i32 = arith.constant 0 : i32
    %c0_i32_1 = arith.constant 0 : i32
    return %get3A_0, %c0_i32 : i32, i32
  }
}

module attributes {stable_mosaic.version = 14 : i64} {
  func.func @_gating_body(%arg0: memref<4096x768xf32, #tpu.memory_space<vmem>>, %arg1: memref<768x8xf32, #tpu.memory_space<vmem>>, %arg2: memref<4096x384xi32, #tpu.memory_space<vmem>>, %arg3: memref<4096x8xi32, #tpu.memory_space<vmem>>, %arg4: memref<32x8xi32, #tpu.memory_space<vmem>>, %arg5: memref<32x8xi32, #tpu.memory_space<vmem>>, %arg6: memref<32x8xi32, #tpu.memory_space<vmem>>, %arg7: memref<1x1xf32, #tpu.memory_space<vmem>>) attributes {dimension_semantics = [], scalar_prefetch = 0 : i64, scratch_operands = 0 : i64, tpu.core_type = #tpu.core_type<tc>} {
    %get3A = arith.constant 0 : index
    %get3A_0 = arith.constant 0 : index
    %get3A_1 = vector.load %arg0[%get3A, %get3A_0] : memref<4096x768xf32, #tpu.memory_space<vmem>>, vector<4096x768xf32>
    %get3A_2 = arith.constant 0 : index
    %get3A_3 = arith.constant 0 : index
    %get3A_4 = vector.load %arg1[%get3A_2, %get3A_3] : memref<768x8xf32, #tpu.memory_space<vmem>>, vector<768x8xf32>
    %convert_element_type3A = arith.truncf %get3A_1 : vector<4096x768xf32> to vector<4096x768xbf16>
    %slice3A = vector.extract_strided_slice %convert_element_type3A {offsets = [0, 0], sizes = [4096, 384], strides = [1, 1]} : vector<4096x768xbf16> to vector<4096x384xbf16>
    %bitcast_convert_type3A = tpu.bitcast %slice3A : vector<4096x384xbf16> -> vector<4096x384xi16>
    %convert_element_type3A_5 = arith.extui %bitcast_convert_type3A : vector<4096x384xi16> to vector<4096x384xi32>
    %slice3A_6 = vector.extract_strided_slice %convert_element_type3A {offsets = [0, 384], sizes = [4096, 384], strides = [1, 1]} : vector<4096x768xbf16> to vector<4096x384xbf16>
    %bitcast_convert_type3A_7 = tpu.bitcast %slice3A_6 : vector<4096x384xbf16> -> vector<4096x384xi16>
    %convert_element_type3A_8 = arith.extui %bitcast_convert_type3A_7 : vector<4096x384xi16> to vector<4096x384xi32>
    %shift_left3A = arith.constant 16 : i32
    %shift_left3A_9 = vector.broadcast %shift_left3A : i32 to vector<4096x384xi32>
    %shift_left3A_10 = arith.shli %convert_element_type3A_8, %shift_left3A_9 : vector<4096x384xi32>
    %or3A = arith.ori %convert_element_type3A_5, %shift_left3A_10 : vector<4096x384xi32>
    %bitcast_convert_type3A_11 = tpu.bitcast %or3A : vector<4096x384xi32> -> vector<4096x384xi32>
    %swap3A = arith.constant 0 : index
    %swap3A_12 = arith.constant 0 : index
    %swap3A_13 = vector.load %arg2[%swap3A, %swap3A_12] : memref<4096x384xi32, #tpu.memory_space<vmem>>, vector<4096x384xi32>
    tpu.vector_store %arg2[%swap3A, %swap3A_12], %bitcast_convert_type3A_11 {strides = array<i32>} : memref<4096x384xi32, #tpu.memory_space<vmem>>, vector<4096x384xi32>,
    %convert_element_type3A_14 = arith.truncf %get3A_4 : vector<768x8xf32> to vector<768x8xbf16>
    %dot_general3A = arith.constant dense<0.000000e+00> : vector<4096x8xf32>
    %dot_general3A_15 = tpu.matmul %convert_element_type3A, %convert_element_type3A_14, %dot_general3A {dimension_numbers = #tpu.dot_dimension_numbers<[1], [0], [0], [1], [0, 0, 1, 1], [], []>, transpose_lhs_hint = false} : vector<4096x768xbf16>, vector<768x8xbf16>, vector<4096x8xf32> -> vector<4096x8xf32>
    %reduce_max3A = arith.constant dense<0xFF800000> : vector<4096xf32>
    %reduce_max3A_16 = vector.multi_reduction <maximumf>, %dot_general3A_15, %reduce_max3A [1] : vector<4096x8xf32> to vector<4096xf32>
    %broadcast_in_dim3A = vector.shape_cast %reduce_max3A_16 : vector<4096xf32> to vector<4096x1xf32>
    %sub3A = vector.broadcast %broadcast_in_dim3A : vector<4096x1xf32> to vector<4096x8xf32>
    %sub3A_17 = arith.subf %dot_general3A_15, %sub3A : vector<4096x8xf32>
    %exp3A = math.exp %sub3A_17 : vector<4096x8xf32>
    %reduce_sum3A = arith.constant dense<0.000000e+00> : vector<4096xf32>
    %reduce_sum3A_18 = vector.multi_reduction <add>, %exp3A, %reduce_sum3A [1] : vector<4096x8xf32> to vector<4096xf32>
    %broadcast_in_dim3A_19 = vector.shape_cast %reduce_sum3A_18 : vector<4096xf32> to vector<4096x1xf32>
    %div3A = vector.broadcast %broadcast_in_dim3A_19 : vector<4096x1xf32> to vector<4096x8xf32>
    %div3A_20 = arith.divf %exp3A, %div3A : vector<4096x8xf32>
    %log3A = math.log %broadcast_in_dim3A_19 : vector<4096x1xf32>
    %add3A = arith.addf %broadcast_in_dim3A, %log3A : vector<4096x1xf32>
    %iota3A = tpu.iota {dimensions = array<i32: 1>} : vector<4096x8xi32>
    %eq3A = vector.broadcast %broadcast_in_dim3A : vector<4096x1xf32> to vector<4096x8xf32>
    %eq3A_21 = arith.cmpf oeq, %dot_general3A_15, %eq3A : vector<4096x8xf32>
    %jit3A = arith.constant 8 : i32
    %broadcast_in_dim3A_22 = vector.broadcast %jit3A : i32 to vector<4096x8xi32>
    %select_n3A = arith.select %eq3A_21, %iota3A, %broadcast_in_dim3A_22 : vector<4096x8xi1>, vector<4096x8xi32>
    %reduce_min3A = arith.constant dense<2147483647> : vector<4096xi32>
    %reduce_min3A_23 = vector.multi_reduction <minsi>, %select_n3A, %reduce_min3A [1] : vector<4096x8xi32> to vector<4096xi32>
    %broadcast_in_dim3A_24 = vector.shape_cast %reduce_min3A_23 : vector<4096xi32> to vector<4096x1xi32>
    %eq3A_25 = vector.broadcast %broadcast_in_dim3A_24 : vector<4096x1xi32> to vector<4096x8xi32>
    %eq3A_26 = arith.cmpi eq, %iota3A, %eq3A_25 : vector<4096x8xi32>
    %convert_element_type3A_27 = arith.extui %eq3A_26 : vector<4096x8xi1> to vector<4096x8xi32>
    %broadcast_in_dim3A_28 = arith.constant 0 : i32
    %broadcast_in_dim3A_29 = vector.broadcast %broadcast_in_dim3A_28 : i32 to vector<1x8xi32>
    %slice3A_30 = vector.extract_strided_slice %convert_element_type3A_27 {offsets = [0, 0], sizes = [4095, 8], strides = [1, 1]} : vector<4096x8xi32> to vector<4095x8xi32>
    %concatenate3A = tpu.concatenate %broadcast_in_dim3A_29, %slice3A_30 in 0 : vector<1x8xi32>, vector<4095x8xi32> -> vector<4096x8xi32>
    %add3A_31 = arith.addi %convert_element_type3A_27, %concatenate3A : vector<4096x8xi32>
    %broadcast_in_dim3A_32 = arith.constant 0 : i32
    %broadcast_in_dim3A_33 = vector.broadcast %broadcast_in_dim3A_32 : i32 to vector<2x8xi32>
    %slice3A_34 = vector.extract_strided_slice %add3A_31 {offsets = [0, 0], sizes = [4094, 8], strides = [1, 1]} : vector<4096x8xi32> to vector<4094x8xi32>
    %concatenate3A_35 = tpu.concatenate %broadcast_in_dim3A_33, %slice3A_34 in 0 : vector<2x8xi32>, vector<4094x8xi32> -> vector<4096x8xi32>
    %add3A_36 = arith.addi %add3A_31, %concatenate3A_35 : vector<4096x8xi32>
    %broadcast_in_dim3A_37 = arith.constant 0 : i32
    %broadcast_in_dim3A_38 = vector.broadcast %broadcast_in_dim3A_37 : i32 to vector<4x8xi32>
    %slice3A_39 = vector.extract_strided_slice %add3A_36 {offsets = [0, 0], sizes = [4092, 8], strides = [1, 1]} : vector<4096x8xi32> to vector<4092x8xi32>
    %concatenate3A_40 = tpu.concatenate %broadcast_in_dim3A_38, %slice3A_39 in 0 : vector<4x8xi32>, vector<4092x8xi32> -> vector<4096x8xi32>
    %add3A_41 = arith.addi %add3A_36, %concatenate3A_40 : vector<4096x8xi32>
    %broadcast_in_dim3A_42 = arith.constant 0 : i32
    %broadcast_in_dim3A_43 = vector.broadcast %broadcast_in_dim3A_42 : i32 to vector<8x8xi32>
    %slice3A_44 = vector.extract_strided_slice %add3A_41 {offsets = [0, 0], sizes = [4088, 8], strides = [1, 1]} : vector<4096x8xi32> to vector<4088x8xi32>
    %concatenate3A_45 = tpu.concatenate %broadcast_in_dim3A_43, %slice3A_44 in 0 : vector<8x8xi32>, vector<4088x8xi32> -> vector<4096x8xi32>
    %add3A_46 = arith.addi %add3A_41, %concatenate3A_45 : vector<4096x8xi32>
    %broadcast_in_dim3A_47 = arith.constant 0 : i32
    %broadcast_in_dim3A_48 = vector.broadcast %broadcast_in_dim3A_47 : i32 to vector<16x8xi32>
    %slice3A_49 = vector.extract_strided_slice %add3A_46 {offsets = [0, 0], sizes = [4080, 8], strides = [1, 1]} : vector<4096x8xi32> to vector<4080x8xi32>
    %concatenate3A_50 = tpu.concatenate %broadcast_in_dim3A_48, %slice3A_49 in 0 : vector<16x8xi32>, vector<4080x8xi32> -> vector<4096x8xi32>
    %add3A_51 = arith.addi %add3A_46, %concatenate3A_50 : vector<4096x8xi32>
    %broadcast_in_dim3A_52 = arith.constant 0 : i32
    %broadcast_in_dim3A_53 = vector.broadcast %broadcast_in_dim3A_52 : i32 to vector<32x8xi32>
    %slice3A_54 = vector.extract_strided_slice %add3A_51 {offsets = [0, 0], sizes = [4064, 8], strides = [1, 1]} : vector<4096x8xi32> to vector<4064x8xi32>
    %concatenate3A_55 = tpu.concatenate %broadcast_in_dim3A_53, %slice3A_54 in 0 : vector<32x8xi32>, vector<4064x8xi32> -> vector<4096x8xi32>
    %add3A_56 = arith.addi %add3A_51, %concatenate3A_55 : vector<4096x8xi32>
    %broadcast_in_dim3A_57 = arith.constant 0 : i32
    %broadcast_in_dim3A_58 = vector.broadcast %broadcast_in_dim3A_57 : i32 to vector<64x8xi32>
    %slice3A_59 = vector.extract_strided_slice %add3A_56 {offsets = [0, 0], sizes = [4032, 8], strides = [1, 1]} : vector<4096x8xi32> to vector<4032x8xi32>
    %concatenate3A_60 = tpu.concatenate %broadcast_in_dim3A_58, %slice3A_59 in 0 : vector<64x8xi32>, vector<4032x8xi32> -> vector<4096x8xi32>
    %add3A_61 = arith.addi %add3A_56, %concatenate3A_60 : vector<4096x8xi32>
    %broadcast_in_dim3A_62 = arith.constant 0 : i32
    %broadcast_in_dim3A_63 = vector.broadcast %broadcast_in_dim3A_62 : i32 to vector<128x8xi32>
    %slice3A_64 = vector.extract_strided_slice %add3A_61 {offsets = [0, 0], sizes = [3968, 8], strides = [1, 1]} : vector<4096x8xi32> to vector<3968x8xi32>
    %concatenate3A_65 = tpu.concatenate %broadcast_in_dim3A_63, %slice3A_64 in 0 : vector<128x8xi32>, vector<3968x8xi32> -> vector<4096x8xi32>
    %add3A_66 = arith.addi %add3A_61, %concatenate3A_65 : vector<4096x8xi32>
    %broadcast_in_dim3A_67 = arith.constant 0 : i32
    %broadcast_in_dim3A_68 = vector.broadcast %broadcast_in_dim3A_67 : i32 to vector<256x8xi32>
    %slice3A_69 = vector.extract_strided_slice %add3A_66 {offsets = [0, 0], sizes = [3840, 8], strides = [1, 1]} : vector<4096x8xi32> to vector<3840x8xi32>
    %concatenate3A_70 = tpu.concatenate %broadcast_in_dim3A_68, %slice3A_69 in 0 : vector<256x8xi32>, vector<3840x8xi32> -> vector<4096x8xi32>
    %add3A_71 = arith.addi %add3A_66, %concatenate3A_70 : vector<4096x8xi32>
    %broadcast_in_dim3A_72 = arith.constant 0 : i32
    %broadcast_in_dim3A_73 = vector.broadcast %broadcast_in_dim3A_72 : i32 to vector<512x8xi32>
    %slice3A_74 = vector.extract_strided_slice %add3A_71 {offsets = [0, 0], sizes = [3584, 8], strides = [1, 1]} : vector<4096x8xi32> to vector<3584x8xi32>
    %concatenate3A_75 = tpu.concatenate %broadcast_in_dim3A_73, %slice3A_74 in 0 : vector<512x8xi32>, vector<3584x8xi32> -> vector<4096x8xi32>
    %add3A_76 = arith.addi %add3A_71, %concatenate3A_75 : vector<4096x8xi32>
    %broadcast_in_dim3A_77 = arith.constant 0 : i32
    %broadcast_in_dim3A_78 = vector.broadcast %broadcast_in_dim3A_77 : i32 to vector<1024x8xi32>
    %slice3A_79 = vector.extract_strided_slice %add3A_76 {offsets = [0, 0], sizes = [3072, 8], strides = [1, 1]} : vector<4096x8xi32> to vector<3072x8xi32>
    %concatenate3A_80 = tpu.concatenate %broadcast_in_dim3A_78, %slice3A_79 in 0 : vector<1024x8xi32>, vector<3072x8xi32> -> vector<4096x8xi32>
    %add3A_81 = arith.addi %add3A_76, %concatenate3A_80 : vector<4096x8xi32>
    %broadcast_in_dim3A_82 = arith.constant 0 : i32
    %broadcast_in_dim3A_83 = vector.broadcast %broadcast_in_dim3A_82 : i32 to vector<2048x8xi32>
    %slice3A_84 = vector.extract_strided_slice %add3A_81 {offsets = [0, 0], sizes = [2048, 8], strides = [1, 1]} : vector<4096x8xi32> to vector<2048x8xi32>
    %concatenate3A_85 = tpu.concatenate %broadcast_in_dim3A_83, %slice3A_84 in 0 : vector<2048x8xi32>, vector<2048x8xi32> -> vector<4096x8xi32>
    %add3A_86 = arith.addi %add3A_81, %concatenate3A_85 : vector<4096x8xi32>
    %convert_element_type3A_87 = arith.sitofp %add3A_86 : vector<4096x8xi32> to vector<4096x8xf32>
    %slice3A_88 = vector.extract_strided_slice %add3A_86 {offsets = [4095, 0], sizes = [1, 8], strides = [1, 1]} : vector<4096x8xi32> to vector<1x8xi32>
    %add3A_89 = arith.constant 511 : i32
    %add3A_90 = vector.broadcast %add3A_89 : i32 to vector<1x8xi32>
    %add3A_91 = arith.addi %slice3A_88, %add3A_90 : vector<1x8xi32>
    %jit3A_92 = arith.constant 512 : i32
    %div3A_93 = vector.broadcast %jit3A_92 : i32 to vector<1x8xi32>
    %div3A_94 = arith.divsi %add3A_91, %div3A_93 : vector<1x8xi32>
    %sign3A = arith.constant 0 : i32
    %sign3A_95 = vector.broadcast %sign3A : i32 to vector<1x8xi32>
    %sign3A_96 = arith.cmpi sgt, %add3A_91, %sign3A_95 : vector<1x8xi32>
    %sign3A_97 = arith.extui %sign3A_96 : vector<1x8xi1> to vector<1x8xi32>
    %sign3A_98 = arith.constant 0 : i32
    %sign3A_99 = vector.broadcast %sign3A_98 : i32 to vector<1x8xi32>
    %sign3A_100 = arith.cmpi slt, %add3A_91, %sign3A_99 : vector<1x8xi32>
    %sign3A_101 = arith.extui %sign3A_100 : vector<1x8xi1> to vector<1x8xi32>
    %sign3A_102 = arith.subi %sign3A_97, %sign3A_101 : vector<1x8xi32>
    %sign3A_103 = arith.constant 0 : i32
    %sign3A_104 = arith.cmpi sgt, %jit3A_92, %sign3A_103 : i32
    %sign3A_105 = arith.extui %sign3A_104 : i1 to i32
    %sign3A_106 = arith.constant 0 : i32
    %sign3A_107 = arith.cmpi slt, %jit3A_92, %sign3A_106 : i32
    %sign3A_108 = arith.extui %sign3A_107 : i1 to i32
    %sign3A_109 = arith.subi %sign3A_105, %sign3A_108 : i32
    %ne3A = vector.broadcast %sign3A_109 : i32 to vector<1x8xi32>
    %ne3A_110 = arith.cmpi ne, %sign3A_102, %ne3A : vector<1x8xi32>
    %rem3A = vector.broadcast %jit3A_92 : i32 to vector<1x8xi32>
    %rem3A_111 = arith.remsi %add3A_91, %rem3A : vector<1x8xi32>
    %ne3A_112 = arith.constant 0 : i32
    %ne3A_113 = vector.broadcast %ne3A_112 : i32 to vector<1x8xi32>
    %ne3A_114 = arith.cmpi ne, %rem3A_111, %ne3A_113 : vector<1x8xi32>
    %and3A = arith.andi %ne3A_110, %ne3A_114 : vector<1x8xi1>
    %sub3A_115 = arith.constant 1 : i32
    %sub3A_116 = vector.broadcast %sub3A_115 : i32 to vector<1x8xi32>
    %sub3A_117 = arith.subi %div3A_94, %sub3A_116 : vector<1x8xi32>
    %select_n3A_118 = arith.select %and3A, %sub3A_117, %div3A_94 : vector<1x8xi1>, vector<1x8xi32>
    %iota3A_119 = tpu.iota {dimensions = array<i32: 0>} : vector<8x8xi32>
    %iota3A_120 = tpu.iota {dimensions = array<i32: 1>} : vector<8x8xi32>
    %lt3A = arith.cmpi slt, %iota3A_119, %iota3A_120 : vector<8x8xi32>
    %convert_element_type3A_121 = arith.extui %lt3A : vector<8x8xi1> to vector<8x8xi32>
    %convert_element_type3A_122 = arith.sitofp %convert_element_type3A_121 : vector<8x8xi32> to vector<8x8xf32>
    %mul3A = arith.constant 512 : i32
    %mul3A_123 = vector.broadcast %mul3A : i32 to vector<1x8xi32>
    %mul3A_124 = arith.muli %select_n3A_118, %mul3A_123 : vector<1x8xi32>
    %convert_element_type3A_125 = arith.sitofp %mul3A_124 : vector<1x8xi32> to vector<1x8xf32>
    %dot_general3A_126 = arith.constant dense<0.000000e+00> : vector<1x8xf32>
    %dot_general3A_127 = tpu.matmul %convert_element_type3A_125, %convert_element_type3A_122, %dot_general3A_126 {dimension_numbers = #tpu.dot_dimension_numbers<[1], [0], [0], [1], [0, 0, 1, 1], [], []>, transpose_lhs_hint = false} : vector<1x8xf32>, vector<8x8xf32>, vector<1x8xf32> -> vector<1x8xf32>
    %convert_element_type3A_128 = arith.sitofp %select_n3A_118 : vector<1x8xi32> to vector<1x8xf32>
    %dot_general3A_129 = arith.constant dense<0.000000e+00> : vector<1x8xf32>
    %dot_general3A_130 = tpu.matmul %convert_element_type3A_128, %convert_element_type3A_122, %dot_general3A_129 {dimension_numbers = #tpu.dot_dimension_numbers<[1], [0], [0], [1], [0, 0, 1, 1], [], []>, transpose_lhs_hint = false} : vector<1x8xf32>, vector<8x8xf32>, vector<1x8xf32> -> vector<1x8xf32>
    %convert_element_type3A_131 = arith.fptosi %dot_general3A_130 : vector<1x8xf32> to vector<1x8xi32>
    %reduce_sum3A_132 = arith.constant dense<0> : vector<1xi32>
    %reduce_sum3A_133 = vector.multi_reduction <add>, %select_n3A_118, %reduce_sum3A_132 [1] : vector<1x8xi32> to vector<1xi32>
    %broadcast_in_dim3A_134 = vector.shape_cast %reduce_sum3A_133 : vector<1xi32> to vector<1x1xi32>
    %eq3A_135 = arith.constant 1 : i32
    %eq3A_136 = vector.broadcast %eq3A_135 : i32 to vector<4096x8xi32>
    %eq3A_137 = arith.cmpi eq, %convert_element_type3A_27, %eq3A_136 : vector<4096x8xi32>
    %add3A_138 = vector.broadcast %dot_general3A_127 : vector<1x8xf32> to vector<4096x8xf32>
    %add3A_139 = arith.addf %add3A_138, %convert_element_type3A_87 : vector<4096x8xf32>
    %sub3A_140 = arith.constant 1.000000e+00 : f32
    %sub3A_141 = vector.broadcast %sub3A_140 : f32 to vector<4096x8xf32>
    %sub3A_142 = arith.subf %add3A_139, %sub3A_141 : vector<4096x8xf32>
    %jit3A_143 = arith.constant 0.000000e+00 : f32
    %broadcast_in_dim3A_144 = vector.broadcast %jit3A_143 : f32 to vector<4096x8xf32>
    %select_n3A_145 = arith.select %eq3A_137, %sub3A_142, %broadcast_in_dim3A_144 : vector<4096x8xi1>, vector<4096x8xf32>
    %reduce_sum3A_146 = arith.constant dense<0.000000e+00> : vector<4096xf32>
    %reduce_sum3A_147 = vector.multi_reduction <add>, %select_n3A_145, %reduce_sum3A_146 [1] : vector<4096x8xf32> to vector<4096xf32>
    %broadcast_in_dim3A_148 = vector.shape_cast %reduce_sum3A_147 : vector<4096xf32> to vector<4096x1xf32>
    %convert_element_type3A_149 = arith.fptosi %broadcast_in_dim3A_148 : vector<4096x1xf32> to vector<4096x1xi32>
    %broadcast_in_dim3A_150 = vector.shape_cast %convert_element_type3A_149 : vector<4096x1xi32> to vector<4096x1xi32>
    %broadcast_in_dim3A_151 = vector.broadcast %broadcast_in_dim3A_150 : vector<4096x1xi32> to vector<4096x8xi32>
    %swap3A_152 = arith.constant 0 : index
    %swap3A_153 = arith.constant 0 : index
    %swap3A_154 = vector.load %arg3[%swap3A_152, %swap3A_153] : memref<4096x8xi32, #tpu.memory_space<vmem>>, vector<4096x8xi32>
    tpu.vector_store %arg3[%swap3A_152, %swap3A_153], %broadcast_in_dim3A_151 {strides = array<i32>} : memref<4096x8xi32, #tpu.memory_space<vmem>>, vector<4096x8xi32>,
    %iota3A_155 = tpu.iota {dimensions = array<i32: 0>} : vector<32x1xi32>
    %ge3A = vector.broadcast %iota3A_155 : vector<32x1xi32> to vector<32x8xi32>
    %ge3A_156 = vector.broadcast %convert_element_type3A_131 : vector<1x8xi32> to vector<32x8xi32>
    %ge3A_157 = arith.cmpi sge, %ge3A, %ge3A_156 : vector<32x8xi32>
    %convert_element_type3A_158 = arith.extui %ge3A_157 : vector<32x8xi1> to vector<32x8xi32>
    %reduce_sum3A_159 = arith.constant dense<0> : vector<32xi32>
    %reduce_sum3A_160 = vector.multi_reduction <add>, %convert_element_type3A_158, %reduce_sum3A_159 [1] : vector<32x8xi32> to vector<32xi32>
    %broadcast_in_dim3A_161 = vector.shape_cast %reduce_sum3A_160 : vector<32xi32> to vector<32x1xi32>
    %sub3A_162 = arith.constant 1 : i32
    %sub3A_163 = vector.broadcast %sub3A_162 : i32 to vector<32x1xi32>
    %sub3A_164 = arith.subi %broadcast_in_dim3A_161, %sub3A_163 : vector<32x1xi32>
    %sub3A_165 = arith.constant 1 : i32
    %sub3A_166 = vector.broadcast %sub3A_165 : i32 to vector<1x1xi32>
    %sub3A_167 = arith.subi %broadcast_in_dim3A_134, %sub3A_166 : vector<1x1xi32>
    %ge3A_168 = vector.broadcast %sub3A_167 : vector<1x1xi32> to vector<1x8xi32>
    %ge3A_169 = arith.cmpi sge, %ge3A_168, %convert_element_type3A_131 : vector<1x8xi32>
    %convert_element_type3A_170 = arith.extui %ge3A_169 : vector<1x8xi1> to vector<1x8xi32>
    %reduce_sum3A_171 = arith.constant dense<0> : vector<1xi32>
    %reduce_sum3A_172 = vector.multi_reduction <add>, %convert_element_type3A_170, %reduce_sum3A_171 [1] : vector<1x8xi32> to vector<1xi32>
    %broadcast_in_dim3A_173 = vector.shape_cast %reduce_sum3A_172 : vector<1xi32> to vector<1x1xi32>
    %sub3A_174 = arith.constant 1 : i32
    %sub3A_175 = vector.broadcast %sub3A_174 : i32 to vector<1x1xi32>
    %sub3A_176 = arith.subi %broadcast_in_dim3A_173, %sub3A_175 : vector<1x1xi32>
    %lt3A_177 = vector.broadcast %broadcast_in_dim3A_134 : vector<1x1xi32> to vector<32x1xi32>
    %lt3A_178 = arith.cmpi slt, %iota3A_155, %lt3A_177 : vector<32x1xi32>
    %broadcast_in_dim3A_179 = vector.shape_cast %sub3A_176 : vector<1x1xi32> to vector<1x1xi32>
    %broadcast_in_dim3A_180 = vector.broadcast %broadcast_in_dim3A_179 : vector<1x1xi32> to vector<32x1xi32>
    %select_n3A_181 = arith.select %lt3A_178, %sub3A_164, %broadcast_in_dim3A_180 : vector<32x1xi1>, vector<32x1xi32>
    %sub3A_182 = arith.constant 1 : i32
    %sub3A_183 = vector.broadcast %sub3A_182 : i32 to vector<1x1xi32>
    %sub3A_184 = arith.subi %broadcast_in_dim3A_134, %sub3A_183 : vector<1x1xi32>
    %broadcast_in_dim3A_185 = vector.shape_cast %sub3A_184 : vector<1x1xi32> to vector<1x1xi32>
    %broadcast_in_dim3A_186 = vector.broadcast %broadcast_in_dim3A_185 : vector<1x1xi32> to vector<32x1xi32>
    %select_n3A_187 = arith.select %lt3A_178, %iota3A_155, %broadcast_in_dim3A_186 : vector<32x1xi1>, vector<32x1xi32>
    %broadcast_in_dim3A_188 = vector.shape_cast %select_n3A_181 : vector<32x1xi32> to vector<32x1xi32>
    %broadcast_in_dim3A_189 = vector.broadcast %broadcast_in_dim3A_188 : vector<32x1xi32> to vector<32x8xi32>
    %swap3A_190 = arith.constant 0 : index
    %swap3A_191 = arith.constant 0 : index
    %swap3A_192 = vector.load %arg4[%swap3A_190, %swap3A_191] : memref<32x8xi32, #tpu.memory_space<vmem>>, vector<32x8xi32>
    tpu.vector_store %arg4[%swap3A_190, %swap3A_191], %broadcast_in_dim3A_189 {strides = array<i32>} : memref<32x8xi32, #tpu.memory_space<vmem>>, vector<32x8xi32>,
    %broadcast_in_dim3A_193 = vector.shape_cast %select_n3A_187 : vector<32x1xi32> to vector<32x1xi32>
    %broadcast_in_dim3A_194 = vector.broadcast %broadcast_in_dim3A_193 : vector<32x1xi32> to vector<32x8xi32>
    %swap3A_195 = arith.constant 0 : index
    %swap3A_196 = arith.constant 0 : index
    %swap3A_197 = vector.load %arg5[%swap3A_195, %swap3A_196] : memref<32x8xi32, #tpu.memory_space<vmem>>, vector<32x8xi32>
    tpu.vector_store %arg5[%swap3A_195, %swap3A_196], %broadcast_in_dim3A_194 {strides = array<i32>} : memref<32x8xi32, #tpu.memory_space<vmem>>, vector<32x8xi32>,
    %convert_element_type3A_198 = arith.extui %lt3A_178 : vector<32x1xi1> to vector<32x1xi32>
    %broadcast_in_dim3A_199 = vector.shape_cast %convert_element_type3A_198 : vector<32x1xi32> to vector<32x1xi32>
    %broadcast_in_dim3A_200 = vector.broadcast %broadcast_in_dim3A_199 : vector<32x1xi32> to vector<32x8xi32>
    %swap3A_201 = arith.constant 0 : index
    %swap3A_202 = arith.constant 0 : index
    %swap3A_203 = vector.load %arg6[%swap3A_201, %swap3A_202] : memref<32x8xi32, #tpu.memory_space<vmem>>, vector<32x8xi32>
    tpu.vector_store %arg6[%swap3A_201, %swap3A_202], %broadcast_in_dim3A_200 {strides = array<i32>} : memref<32x8xi32, #tpu.memory_space<vmem>>, vector<32x8xi32>,
    %convert_element_type3A_204 = arith.sitofp %slice3A_88 : vector<1x8xi32> to vector<1x8xf32>
    %div3A_205 = arith.constant 4.096000e+03 : f32
    %div3A_206 = vector.broadcast %div3A_205 : f32 to vector<1x8xf32>
    %div3A_207 = arith.divf %convert_element_type3A_204, %div3A_206 : vector<1x8xf32>
    %reduce_sum3A_208 = arith.constant dense<0.000000e+00> : vector<8xf32>
    %reduce_sum3A_209 = vector.multi_reduction <add>, %div3A_20, %reduce_sum3A_208 [0] : vector<4096x8xf32> to vector<8xf32>
    %broadcast_in_dim3A_210 = vector.shape_cast %reduce_sum3A_209 : vector<8xf32> to vector<1x8xf32>
    %div3A_211 = arith.constant 4.096000e+03 : f32
    %div3A_212 = vector.broadcast %div3A_211 : f32 to vector<1x8xf32>
    %div3A_213 = arith.divf %broadcast_in_dim3A_210, %div3A_212 : vector<1x8xf32>
    %mul3A_214 = arith.mulf %div3A_207, %div3A_213 : vector<1x8xf32>
    %reduce_sum3A_215 = arith.constant dense<0.000000e+00> : vector<1xf32>
    %reduce_sum3A_216 = vector.multi_reduction <add>, %mul3A_214, %reduce_sum3A_215 [1] : vector<1x8xf32> to vector<1xf32>
    %broadcast_in_dim3A_217 = vector.shape_cast %reduce_sum3A_216 : vector<1xf32> to vector<1x1xf32>
    %mul3A_218 = arith.constant 8.000000e-02 : f32
    %mul3A_219 = vector.broadcast %mul3A_218 : f32 to vector<1x1xf32>
    %mul3A_220 = arith.mulf %mul3A_219, %broadcast_in_dim3A_217 : vector<1x1xf32>
    %mul3A_221 = arith.mulf %add3A, %add3A : vector<4096x1xf32>
    %reduce_sum3A_222 = arith.constant dense<0.000000e+00> : vector<1xf32>
    %reduce_sum3A_223 = vector.multi_reduction <add>, %mul3A_221, %reduce_sum3A_222 [0] : vector<4096x1xf32> to vector<1xf32>
    %broadcast_in_dim3A_224 = vector.shape_cast %reduce_sum3A_223 : vector<1xf32> to vector<1x1xf32>
    %mul3A_225 = arith.constant 1.000000e-03 : f32
    %mul3A_226 = vector.broadcast %mul3A_225 : f32 to vector<1x1xf32>
    %mul3A_227 = arith.mulf %mul3A_226, %broadcast_in_dim3A_224 : vector<1x1xf32>
    %div3A_228 = arith.constant 4.096000e+03 : f32
    %div3A_229 = vector.broadcast %div3A_228 : f32 to vector<1x1xf32>
    %div3A_230 = arith.divf %mul3A_227, %div3A_229 : vector<1x1xf32>
    %add3A_231 = arith.addf %mul3A_220, %div3A_230 : vector<1x1xf32>
    %swap3A_232 = arith.constant 0 : index
    %swap3A_233 = arith.constant 0 : index
    %swap3A_234 = vector.load %arg7[%swap3A_232, %swap3A_233] : memref<1x1xf32, #tpu.memory_space<vmem>>, vector<1x1xf32>
    tpu.vector_store %arg7[%swap3A_232, %swap3A_233], %add3A_231 {strides = array<i32>} : memref<1x1xf32, #tpu.memory_space<vmem>>, vector<1x1xf32>,
    return
  }
}

</mosaic_0001>

<sc_bundles>
// kernel: kernel.10.cloned.1.call-start
scs
__scs_entry_jumppad:
0x0: {  	(pc) =	sbr.rel $0x88, $3  }
0x1: {  	(tag) =	ssettag $0x0;
	lr =	simm.s32 $0x1  }
0x2: {  	[smem:$0x3F99] =	sst lr;
	_ =	strace $0xD0000000  }
0x3: {  	_ = 	snop  }
0x4: {  	_ = 	snop  }
0x5: {  	_ = 	snop  }
0x6: {  	_ = 	snop  }
0x7: {  	_ = 	snop  }
__scs_overlays_trampoline_lowered:
0x8: {  	[smem:$0x3FA8] =	sst s0  }
0x9: {  	[smem:$0x3FA9] =	sst s1  }
0xa: {  	[smem:$0x3FAA] =	sst s2  }
0xb: {  	[smem:$0x3FAB] =	sst s3  }
0xc: {  	[smem:$0x3FAC] =	sst s4  }
0xd: {  	[smem:$0x3FAD] =	sst s5  }
0xe: {  	[smem:$0x3FAE] =	sst s6  }
0xf: {  	[smem:$0x3FAF] =	sst s7  }
0x10: {  	[smem:$0x3FB0] =	sst s8  }
0x11: {  	[smem:$0x3FB1] =	sst s9;
	s0 =	simm.s32 @!p0 $0x0  }
0x12: {  	s1 =	sld [smem:$0x3F97];
	s0 =	simm.s32 @p0 $0x1  }
0x13: {  	[smem:$0x3FB2] =	sst s0;
	s0 =	simm.s32 @!p1 $0x0  }
0x14: {  	s2 =	sld [smem:$0x3F96];
	s0 =	simm.s32 @p1 $0x1  }
0x15: {  	[smem:$0x3FB3] =	sst s0;
	s0 =	simm.s32 @!p2 $0x0  }
0x16: {  	s3 =	sld [smem:$0x3FDB];
	s0 =	simm.s32 @p2 $0x1  }
0x17: {  	s4 =	simm.s32 $0x1BF5;
	[smem:$0x3FB5] =	sst s0  }
0x18: {  	s0 =	sld [smem:$0x3F98];
	_ =	swait.ge [sflag:s4], $0x0  }
0x19: {  	s7 =	sld [smem:$0x3F99]  }
0x1a: {  	s8 =	sadd.s32 $0xFFFFE003, lr  }
0x1b: {  	s9 =	sadd.s32 $0xFFFFFEF7, lr;
	s5 =	simm.s32 $0xFFFFFFFF;
	p2 =	slt.u32 s8, $0xFFFFF086  }
0x1c: {  	p1 =	slt.u32 s9, $0xF7A;
	s5 =	simm.s32 @!p2 $0x0  }
0x1d: {  	s5 =	simm.s32 @p1 $0x1;
	p0 =	seq.s32 s7, s2  }
0x1e: {  	s7 =	smul.u32 @!p0 $0xF7A, s2;
	p2 =	seq.s32 @!p0 s5, $0x0  }
0x1f: {  	s9 =	smul.u32 $0xF7A, s1;
	s8 =	simm.s32 @!p0 $0x1BF5;
	p2 =	por !p2, p0  }
0x20: {  	[sflag:s8] =	ssyncset.s32 @!p0 $0xFFFFF086;
	s6 =	sadd.s32 @!p0 s3, s7;
	s7 =	simm.s32 @!p0 $0x108  }
0x21: {  	s3 =	sadd.s32 s3, s9;
	s6 =	sadd.s32 @!p0 $0x88, s6;
	s7 =	simm.s32 @p2 $0x1082  }
0x22: {  	[simem:s7], [sflag:s8] =	dma.local @!p0 [hbm:s6], $0xF7A  }
0x23: {  	s9 =	sor.u32 $0xD0000000, s2;
	s6 =	simm.s32 $0x108;
	_ =	swait.ge @!p0 [sflag:s8], $0x0  }
0x24: {  	s3 =	sadd.s32 $0x88, s3;
	s6 =	simm.s32 @!p1 $0x1082;
	[sflag:s4] =	ssyncset.s32 $0xFFFFF086  }
0x25: {  	[simem:s6], [sflag:s4] =	dma.local [hbm:s3], $0xF7A  }
0x26: {  	[smem:$0x3F99] =	sst s1;
	(tag) =	ssettag s2;
	_ =	strace s9  }
0x27: {  	s1 =	sld [smem:$0x3FA9]  }
0x28: {  	s2 =	sld [smem:$0x3FAA]  }
0x29: {  	s4 =	sld [smem:$0x3FAC]  }
0x2a: {  	p0 =	seq.s32 s5, $0x0;
	s5 =	sld [smem:$0x3FAD]  }
0x2b: {  	s6 =	sld [smem:$0x3FAE]  }
0x2c: {  	s7 =	sld [smem:$0x3FAF]  }
0x2d: {  	s3 =	simm.s32 $0x108;
	s8 =	sld [smem:$0x3FB0]  }
0x2e: {  	s3 =	simm.s32 @!p0 $0x1082;
	s9 =	sld [smem:$0x3FB1]  }
0x2f: {  	lr =	sadd.s32 s0, s3;
	s0 =	sld [smem:$0x3FA8]  }
0x30: {  	s3 =	sld [smem:$0x3FAB]  }
0x31: {  	[smem:$0x3FB4] =	sst s10  }
0x32: {  	s10 =	sld [smem:$0x3FB2];
	_ =	sdelay $0x3  }
0x33: {  	p0 =	seq.s32 s10, $0x1;
	s10 =	sld [smem:$0x3FB4];
	_ =	sdelay $0x3  }
0x34: {  	[smem:$0x3FB4] =	sst s10  }
0x35: {  	s10 =	sld [smem:$0x3FB3];
	_ =	sdelay $0x3  }
0x36: {  	p1 =	seq.s32 s10, $0x1;
	s10 =	sld [smem:$0x3FB4];
	_ =	sdelay $0x3  }
0x37: {  	[smem:$0x3FB4] =	sst s10  }
0x38: {  	s10 =	sld [smem:$0x3FB5]  }
0x39: {  	_ = 	snop;
	(pc) =	sbr.ind lr, $3  }
0x3a: {  	_ = 	snop  }
0x3b: {  	_ = 	snop  }
0x3c: {  	p2 =	seq.s32 s10, $0x1;
	s10 =	sld [smem:$0x3FB4]  }
0x3d: {  	_ =	shalt  }
0x3e: {  	_ =	shalt  }
0x3f: {  	_ =	shalt  }
0x40: {  	_ =	shalt  }
0x41: {  	_ =	shalt  }
0x42: {  	_ =	shalt  }
0x43: {  	_ =	shalt  }
0x44: {  	_ =	shalt  }
0x45: {  	_ =	shalt  }
0x46: {  	_ =	shalt  }
0x47: {  	_ =	shalt  }
0x48: {  	_ =	shalt  }
0x49: {  	_ =	shalt  }
0x4a: {  	_ =	shalt  }
0x4b: {  	_ =	shalt  }
0x4c: {  	_ =	shalt  }
0x4d: {  	_ =	shalt  }
0x4e: {  	_ =	shalt  }
0x4f: {  	_ =	shalt  }
0x50: {  	_ =	shalt  }
0x51: {  	_ =	shalt  }
0x52: {  	_ =	shalt  }
0x53: {  	_ =	shalt  }
0x54: {  	_ =	shalt  }
0x55: {  	_ =	shalt  }
0x56: {  	_ =	shalt  }
0x57: {  	_ =	shalt  }
0x58: {  	_ =	shalt  }
0x59: {  	_ =	shalt  }
0x5a: {  	_ =	shalt  }
0x5b: {  	_ =	shalt  }
0x5c: {  	_ =	shalt  }
0x5d: {  	_ =	shalt  }
0x5e: {  	_ =	shalt  }
0x5f: {  	_ =	shalt  }
0x60: {  	_ =	shalt  }
0x61: {  	_ =	shalt  }
0x62: {  	_ =	shalt  }
0x63: {  	_ =	shalt  }
0x64: {  	_ =	shalt  }
0x65: {  	_ =	shalt  }
0x66: {  	_ =	shalt  }
0x67: {  	_ =	shalt  }
0x68: {  	_ =	shalt  }
0x69: {  	_ =	shalt  }
0x6a: {  	_ =	shalt  }
0x6b: {  	_ =	shalt  }
0x6c: {  	_ =	shalt  }
0x6d: {  	_ =	shalt  }
0x6e: {  	_ =	shalt  }
0x6f: {  	_ =	shalt  }
0x70: {  	_ =	shalt  }
0x71: {  	_ =	shalt  }
0x72: {  	_ =	shalt  }
0x73: {  	_ =	shalt  }
0x74: {  	_ =	shalt  }
0x75: {  	_ =	shalt  }
0x76: {  	_ =	shalt  }
0x77: {  	_ =	shalt  }
0x78: {  	_ =	shalt  }
0x79: {  	_ =	shalt  }
0x7a: {  	_ =	shalt  }
0x7b: {  	_ =	shalt  }
0x7c: {  	_ =	shalt  }
0x7d: {  	_ =	shalt  }
0x7e: {  	_ =	shalt  }
0x7f: {  	_ =	shalt  }
0x80: {  	_ =	shalt  }
0x81: {  	_ =	shalt  }
0x82: {  	_ =	shalt  }
0x83: {  	_ =	shalt  }
0x84: {  	_ =	shalt  }
0x85: {  	_ =	shalt  }
0x86: {  	_ =	shalt  }
0x87: {  	_ =	shalt  }
.Lfunc_end0:
.L_simem_size_0:
called_computation.1_lowered:
.L_overlay_start_0:
0x88: {  	s2 =	sld [smem:$0x3FD9]  }
0x89: {  	s3 =	sld [smem:$0x3FFE];
	_ =	sdelay $0x1  }
0x8a: {  	s1 =	srdreg.scid  }
0x8b: {  	s0 =	sand.u32 $0x1, s1  }
0x8c: {  	s14 =	sshll.u32 s0, $0xA;
	s2 =	sadd.s32 s3, s2  }
0x8d: {  	s2 =	sadd.s32 s2, s14  }
0x8e: {  	[smem:$0x3FC0] =	sst s2  }
0x8f: {  	_ = 	snop  }
0x90: {  	s2 =	sld [smem:$0x3FD0];
	_ =	sdelay $0x2  }
0x91: {  	s15 =	simm.s32 $0xA;
	s4 =	simm.s32 $0x10  }
0x92: {  	[smem:s4], [sflag:s15] =	dma.local [hbm:s2], $0x1  }
0x93: {  	_ =	swait.eq [sflag:s15], $0x1  }
0x94: {  	[sflag:s15] =	ssyncset.done $0x0  }
0x95: {  	[sflag:s15] =	ssyncadd.s32 $0xFFFFFFFF  }
0x96: {  	s16 =	sld [smem:$0x10];
	(tm) =	ssettm $0x1  }
0x97: {  	s17 =	sld [smem:$0x3FFB];
	_ =	sdelay $0x3  }
0x98: {  	_ =	strace s17  }
0x99: {  	s3 =	sld [smem:$0x3FFC];
	_ =	sdelay $0x3  }
0x9a: {  	_ =	strace s3  }
0x9b: {  	s3 =	sld [smem:$0x3FFD];
	_ =	sdelay $0x3  }
0x9c: {  	_ =	strace s3  }
0x9d: {  	_ =	strace $0x8FFFFFFF  }
0x9e: {  	s18 =	sld [smem:$0x3FDB];
	_ =	sdelay $0x1  }
0x9f: {  	s19 =	simm.s32 $_scs_section_size  }
0xa0: {  	s5 =	simm.s32 $_size__tile_overlayer_lowered;
	s6 =	simm.s32 $_tile_overlayer_lowered  }
0xa1: {  	s22 =	simm.s32 $0x1BFF;
	s21 =	sshll.u32 s6, $0x1;
	s3 =	sadd.s32 s19, s18  }
0xa2: {  	s7 =	simm.s32 $0x0;
	s20 =	sshll.u32 s5, $0x1;
	s5 =	sadd.s32 s21, s3  }
0xa3: {  	[timem:s7], [sflag:s22] =	dma.local [hbm:s5], s20  }
0xa4: {  	_ =	swait.ge [sflag:s22], s20  }
0xa5: {  	s4 =	ssub.s32 $0x0, s20;
	[sflag:s22] =	ssyncset.done $0x0  }
0xa6: {  	[sflag:s22] =	ssyncadd.s32 s4;
	_ =	sdelay $0x1  }
0xa7: {  	s23 =	simm.s32 $0x1B8B  }
0xa8: {  	_ =	swait.ge [sflag:s23], $0x1  }
0xa9: {  	[sflag:s23] =	ssyncset.done $0x0  }
0xaa: {  	s25 =	simm.s32 $0x1B8E;
	s24 =	sld [smem:$0x3FFE];
	[sflag:s23] =	ssyncadd.s32 $0xFFFFFFFF  }
0xab: {  	s26 =	simm.s32 $execute0_lowered;
	[smem:$0x3FD2] =	sst s25  }
0xac: {  	s5 =	sshll.u32 s26, $0x1;
	_ =	strace $0x80000049;
	[dreg:$0x1] =	wrdreg $0xFFFFFFFF  }
0xad: {  	s28 =	simm.s32 $_size_execute0_lowered;
	s3 =	sadd.s32 s3, s5;
	[dreg:$0x0] =	wrdreg $0x0  }
0xae: {  	s5 =	sshll.u32 s28, $0x1;
	[dreg:$0x2] =	wrdreg s3  }
0xaf: {  	[dreg:$0x3] =	wrdreg s5  }
0xb0: {  	[dreg:$0x4] =	wrdreg $0xC0  }
0xb1: {  	_ =	task [dreg:s7], $0x5FFFF  }
0xb2: {  	[dreg:$0x1] =	wrdreg $0xFFFFFFFF  }
0xb3: {  	[dreg:$0x0] =	wrdreg $0x60  }
0xb4: {  	[dreg:$0x2] =	wrdreg s16  }
0xb5: {  	[dreg:$0x3] =	wrdreg s24  }
0xb6: {  	[dreg:$0x4] =	wrdreg $0x9  }
0xb7: {  	_ =	task.clear_ibuf [dreg:s7], $0x5FFFF;
	_ =	strace $0x90000049  }
0xb8: {  	s29 =	simm.s32 $0x9;
	_ =	strace $0x8000004B  }
0xb9: {  	_ =	swait.ge [sflag:s29], $0x1  }
0xba: {  	[sflag:s29] =	ssyncadd.s32 $0xFFFFFFFF  }
0xbb: {  	_ =	strace $0x9000004B  }
0xbc: {  	_ =	sfence  }
0xbd: {  	s30 =	sld [smem:$0x0];
	_ =	sdelay $0x2  }
0xbe: {  	s31 =	sshll.u32 s1, $0xD;
	s1 =	sshrl.u32 s1, $0x2  }
0xbf: {  	s3 =	sand.u32 $0x4000, s31;
	s1 =	sadd.s32 s1, s30  }
0xc0: {  	s0 =	sor.u32 s3, s0;
	s1 =	sshll.u32 s1, $0x11  }
0xc1: {  	s0 =	sor.u32 s1, s0  }
0xc2: {  	s0 =	sadd.s32 $0x8F2B, s0  }
0xc3: {  	[sflag:s0] =	ssyncadd.remote.s32 $0x1  }
0xc4: {  	_ =	sfence.sel $0xFFFF  }
0xc5: {  	[dreg:$0x0] =	wrdreg $0xFFFFFFFF;
	(pc) =	sbr.abs _section_cstart, $3  }
0xc6: {  	[dreg:$0x1] =	wrdreg $0xFFFFFFFF  }
0xc7: {  	_ =	task.clear_ibuf [dreg:s7], $0x2FFFF;
	_ =	strace $0x9FFFFFFF  }
0xc8: {  	(tm) =	ssettm $0x7FFFFFFF  }
0xc9: {  	_ =	shalt  }
tec
execute0_lowered:
.L_overlay_start_1:
0x0: {  	(tag) =	ssettag $0x1  }
0x1: {  	s1 =	srdreg.scid;
	s2 =	rddreg [dreg:$0x0]  }
0x2: {  	s0 =	stileid.u32;
	s5 =	rddreg [dreg:$0x1]  }
0x3: {  	s18 =	simm.s32 $0x880;
	s19 =	simm.s32 $0xC80;
	s20 =	simm.s32 $0x1480  }
0x4: {  	s21 =	simm.s32 $0x1880;
	s23 =	simm.s32 $0x2080;
	s24 =	simm.s32 $0x2480  }
0x5: {  	s25 =	simm.s32 $0x2C80;
	s26 =	simm.s32 $0x3080;
	s7 =	simm.s32 $0x80  }
0x6: {  	s9 =	simm.s32 $0x3C80;
	s10 =	simm.s32 $0x4480;
	s1 =	sand.u32 $0x1, s1  }
0x7: {  	s11 =	simm.s32 $0x4880;
	s3 =	sshll.u32 s0, $0x5;
	s4 =	sshll.u32 s1, $0x4  }
0x8: {  	s12 =	simm.s32 $0x5080;
	s4 =	sor.u32 s4, s3;
	s3 =	simm.s32 $0x0  }
0x9: {  	s13 =	simm.s32 $0x5480;
	s14 =	simm.s32 $0x5C80;
	[smem:$0x7FF] =	sst s3  }
0xa: {  	s15 =	simm.s32 $0x6080;
	_ =	strace $0x8000004A;
	[dreg:$0x5] =	wrdreg s18  }
0xb: {  	s16 =	simm.s32 $0x6880;
	s28 =	simm.s32 $0xA880;
	[dreg:$0x6] =	wrdreg s19  }
0xc: {  	s29 =	simm.s32 $0xB080;
	s30 =	simm.s32 $0xB480;
	[dreg:$0x7] =	wrdreg s20  }
0xd: {  	s31 =	simm.s32 $0xBC80;
	s1 =	ssub.s32 $0x2, s1;
	[dreg:$0x8] =	wrdreg s21  }
0xe: {  	s22 =	sshrl.u32 s1, $0x1;
	s6 =	smul.u32 $0x180, s4;
	[dreg:$0x9] =	wrdreg s23  }
0xf: {  	s4 =	sadd.s32 s4, s5;
	s1 =	ssub.s32 s1, s22;
	[dreg:$0xa] =	wrdreg s24  }
0x10: {  	s22 =	simm.s32 $0x8C80;
	s4 =	sadd.s32 $0x30C00, s4;
	[dreg:$0xb] =	wrdreg s25  }
0x11: {  	[dreg:$0xc] =	wrdreg s26;
	s18 =	simm.s32 $0x7480;
	s19 =	simm.s32 $0x7880  }
0x12: {  	s20 =	simm.s32 $0x8080;
	s21 =	simm.s32 $0x8480;
	s23 =	simm.s32 $0x9080  }
0x13: {  	s24 =	simm.s32 $0x9880;
	s25 =	simm.s32 $0x9C80;
	s26 =	simm.s32 $0xA480  }
0x14: {  	v2 =	vlaneseq.u32;
	s5 =	sadd.s32 s6, s5;
	[dreg:$0x3] =	wrdreg s4;
	s4 =	sadd.s32 $0x100, s2  }
0x15: {  	vm0 =	vmmov $0xffff;
	vm1 =	vmmov $0xff;
	v1 =	vshrl.u32 v2, $0x3;
	s6 =	simm.s32 $0x2;
	s17 =	sadd.s32 $0x30E00, s5;
	s5 =	smax.u32 s1, $0x1  }
0x16: {  	v0 =	vand.u32 $0x7, v2;
	v2 =	vor.u32 $0x8, v2;
	v1 =	vmul.u32 $0x8, v1;
	s1 =	simm.s32 $0x1;
	[dreg:$0x4] =	wrdreg s17;
	s17 =	simm.s32 $0x6C80  }
.LBB2_1:
0x17: {  	s0 =	rddreg [dreg:$0x3]  }
0x18: {  	[tilespmem:s3], [sflag:$0x2] =	stream.linear.gather [hbm4b:s0+s3], $0x80, $0x38;
	[tilespmem:$0xC080] =	vst v63  }
0x19: {  	_ =	swait.ge [sflag:s6], $0x80  }
0x1a: {  	[sflag:s6] =	ssyncset.done $0x0  }
0x1b: {  	[sflag:s6] =	ssyncadd.s32 $0xFFFFFF80  }
0x1c: {  	v3 =	vld [tilespmem:$0x0];
	_ =	sdelay $0x4  }
0x1d: {  	v4 =	vshrl.u32 v3, $0x3  }
0x1e: {  	v4 =	vmul.u32 $0x18, v4  }
0x1f: {  	v3 =	vand.u32 $0x7, v3  }
0x20: {  	v3 =	vor.u32 v3, v4  }
0x21: {  	v4 =	vperm.xlane v3, v0;
	_ =	sdelay $0x1  }
0x22: {  	v4 =	vadd.s32 v1, v4;
	_ =	sdelay $0x1  }
0x23: {  	v3 =	vperm.xlane v3, v2;
	_ =	sdelay $0x1  }
0x24: {  	v3 =	vadd.s32 v1, v3  }
0x25: {  	[tilespmem:s7], [sflag:$0x1] =	stream.indirect_vreg.gather [hbm4b:s2+s3], $0x80, v4, vm0, $0xb8;
	[tilespmem:$0xC080] =	vst v63  }
0x26: {  	s0 =	rddreg [dreg:$0x5]  }
0x27: {  	[tilespmem:s0], [sflag:$0x1] =	stream.indirect_vreg.gather [hbm4b:s4+s3], $0x80, v4, vm1, $0xb8;
	[tilespmem:$0xC080] =	vst v63  }
0x28: {  	s8 =	rddreg [dreg:$0x6]  }
0x29: {  	[tilespmem:s8], [sflag:$0x1] =	stream.indirect_vreg.gather [hbm4b:s2+s3], $0x80, v3, vm0, $0xb8;
	[tilespmem:$0xC080] =	vst v63  }
0x2a: {  	s0 =	rddreg [dreg:$0x7]  }
0x2b: {  	[tilespmem:s0], [sflag:$0x1] =	stream.indirect_vreg.gather [hbm4b:s4+s3], $0x80, v3, vm1, $0xb8;
	[tilespmem:$0xC080] =	vst v63  }
0x2c: {  	v3 =	vld [tilespmem:$0x10];
	_ =	sdelay $0x4  }
0x2d: {  	v57 =	vshrl.u32 v3, $0x3  }
0x2e: {  	v4 =	vmul.u32 $0x18, v57  }
0x2f: {  	v3 =	vand.u32 $0x7, v3  }
0x30: {  	v3 =	vor.u32 v3, v4  }
0x31: {  	v4 =	vperm.xlane v3, v0;
	_ =	sdelay $0x1  }
0x32: {  	v4 =	vadd.s32 v1, v4;
	_ =	sdelay $0x1  }
0x33: {  	v3 =	vperm.xlane v3, v2;
	_ =	sdelay $0x1  }
0x34: {  	s0 =	rddreg [dreg:$0x8];
	v3 =	vadd.s32 v1, v3  }
0x35: {  	[tilespmem:s0], [sflag:$0x1] =	stream.indirect_vreg.gather [hbm4b:s2+s3], $0x80, v4, vm0, $0xb8;
	[tilespmem:$0xC080] =	vst v63  }
0x36: {  	s8 =	rddreg [dreg:$0x9]  }
0x37: {  	[tilespmem:s8], [sflag:$0x1] =	stream.indirect_vreg.gather [hbm4b:s4+s3], $0x80, v4, vm1, $0xb8;
	[tilespmem:$0xC080] =	vst v63  }
0x38: {  	s0 =	rddreg [dreg:$0xa]  }
0x39: {  	[tilespmem:s0], [sflag:$0x1] =	stream.indirect_vreg.gather [hbm4b:s2+s3], $0x80, v3, vm0, $0xb8;
	[tilespmem:$0xC080] =	vst v63  }
0x3a: {  	s8 =	rddreg [dreg:$0xb]  }
0x3b: {  	[tilespmem:s8], [sflag:$0x1] =	stream.indirect_vreg.gather [hbm4b:s4+s3], $0x80, v3, vm1, $0xb8;
	[tilespmem:$0xC080] =	vst v63  }
0x3c: {  	v3 =	vld [tilespmem:$0x20];
	_ =	sdelay $0x4  }
0x3d: {  	v58 =	vshrl.u32 v3, $0x3  }
0x3e: {  	v4 =	vmul.u32 $0x18, v58  }
0x3f: {  	v3 =	vand.u32 $0x7, v3  }
0x40: {  	v3 =	vor.u32 v3, v4  }
0x41: {  	v4 =	vperm.xlane v3, v0;
	_ =	sdelay $0x1  }
0x42: {  	v4 =	vadd.s32 v1, v4;
	_ =	sdelay $0x1  }
0x43: {  	v3 =	vperm.xlane v3, v2;
	_ =	sdelay $0x1  }
0x44: {  	s8 =	rddreg [dreg:$0xc];
	v3 =	vadd.s32 v1, v3  }
0x45: {  	[tilespmem:s8], [sflag:$0x1] =	stream.indirect_vreg.gather [hbm4b:s2+s3], $0x80, v4, vm0, $0xb8;
	[tilespmem:$0xC080] =	vst v63  }
0x46: {  	s8 =	simm.s32 $0x3880  }
0x47: {  	[tilespmem:s8], [sflag:$0x1] =	stream.indirect_vreg.gather [hbm4b:s4+s3], $0x80, v4, vm1, $0xb8;
	[tilespmem:$0xC080] =	vst v63  }
0x48: {  	_ = 	snop  }
0x49: {  	[tilespmem:s9], [sflag:$0x1] =	stream.indirect_vreg.gather [hbm4b:s2+s3], $0x80, v3, vm0, $0xb8;
	[tilespmem:$0xC080] =	vst v63  }
0x4a: {  	_ = 	snop  }
0x4b: {  	[tilespmem:s10], [sflag:$0x1] =	stream.indirect_vreg.gather [hbm4b:s4+s3], $0x80, v3, vm1, $0xb8;
	[tilespmem:$0xC080] =	vst v63  }
0x4c: {  	v3 =	vld [tilespmem:$0x30];
	_ =	sdelay $0x4  }
0x4d: {  	v59 =	vshrl.u32 v3, $0x3  }
0x4e: {  	v4 =	vmul.u32 $0x18, v59  }
0x4f: {  	v3 =	vand.u32 $0x7, v3  }
0x50: {  	v3 =	vor.u32 v3, v4  }
0x51: {  	v4 =	vperm.xlane v3, v0;
	_ =	sdelay $0x1  }
0x52: {  	v4 =	vadd.s32 v1, v4;
	_ =	sdelay $0x1  }
0x53: {  	v3 =	vperm.xlane v3, v2;
	_ =	sdelay $0x1  }
0x54: {  	v3 =	vadd.s32 v1, v3  }
0x55: {  	[tilespmem:s11], [sflag:$0x1] =	stream.indirect_vreg.gather [hbm4b:s2+s3], $0x80, v4, vm0, $0xb8;
	[tilespmem:$0xC080] =	vst v63  }
0x56: {  	_ = 	snop  }
0x57: {  	[tilespmem:s12], [sflag:$0x1] =	stream.indirect_vreg.gather [hbm4b:s4+s3], $0x80, v4, vm1, $0xb8;
	[tilespmem:$0xC080] =	vst v63  }
0x58: {  	_ = 	snop  }
0x59: {  	[tilespmem:s13], [sflag:$0x1] =	stream.indirect_vreg.gather [hbm4b:s2+s3], $0x80, v3, vm0, $0xb8;
	[tilespmem:$0xC080] =	vst v63  }
0x5a: {  	_ = 	snop  }
0x5b: {  	[tilespmem:s14], [sflag:$0x1] =	stream.indirect_vreg.gather [hbm4b:s4+s3], $0x80, v3, vm1, $0xb8;
	[tilespmem:$0xC080] =	vst v63  }
0x5c: {  	v3 =	vld [tilespmem:$0x40];
	_ =	sdelay $0x4  }
0x5d: {  	v60 =	vshrl.u32 v3, $0x3  }
0x5e: {  	v4 =	vmul.u32 $0x18, v60  }
0x5f: {  	v3 =	vand.u32 $0x7, v3  }
0x60: {  	v3 =	vor.u32 v3, v4  }
0x61: {  	v4 =	vperm.xlane v3, v0;
	_ =	sdelay $0x1  }
0x62: {  	v4 =	vadd.s32 v1, v4;
	_ =	sdelay $0x1  }
0x63: {  	v3 =	vperm.xlane v3, v2;
	_ =	sdelay $0x1  }
0x64: {  	v3 =	vadd.s32 v1, v3  }
0x65: {  	[tilespmem:s15], [sflag:$0x1] =	stream.indirect_vreg.gather [hbm4b:s2+s3], $0x80, v4, vm0, $0xb8;
	[tilespmem:$0xC080] =	vst v63  }
0x66: {  	_ = 	snop  }
0x67: {  	[tilespmem:s16], [sflag:$0x1] =	stream.indirect_vreg.gather [hbm4b:s4+s3], $0x80, v4, vm1, $0xb8;
	[tilespmem:$0xC080] =	vst v63  }
0x68: {  	_ = 	snop  }
0x69: {  	[tilespmem:s17], [sflag:$0x1] =	stream.indirect_vreg.gather [hbm4b:s2+s3], $0x80, v3, vm0, $0xb8;
	[tilespmem:$0xC080] =	vst v63  }
0x6a: {  	_ = 	snop  }
0x6b: {  	[tilespmem:s18], [sflag:$0x1] =	stream.indirect_vreg.gather [hbm4b:s4+s3], $0x80, v3, vm1, $0xb8;
	[tilespmem:$0xC080] =	vst v63  }
0x6c: {  	v3 =	vld [tilespmem:$0x50];
	_ =	sdelay $0x4  }
0x6d: {  	v61 =	vshrl.u32 v3, $0x3  }
0x6e: {  	v4 =	vmul.u32 $0x18, v61  }
0x6f: {  	v3 =	vand.u32 $0x7, v3  }
0x70: {  	v3 =	vor.u32 v3, v4  }
0x71: {  	v4 =	vperm.xlane v3, v0;
	_ =	sdelay $0x1  }
0x72: {  	v4 =	vadd.s32 v1, v4;
	_ =	sdelay $0x1  }
0x73: {  	v3 =	vperm.xlane v3, v2;
	_ =	sdelay $0x1  }
0x74: {  	v3 =	vadd.s32 v1, v3  }
0x75: {  	[tilespmem:s19], [sflag:$0x1] =	stream.indirect_vreg.gather [hbm4b:s2+s3], $0x80, v4, vm0, $0xb8;
	[tilespmem:$0xC080] =	vst v63  }
0x76: {  	_ = 	snop  }
0x77: {  	[tilespmem:s20], [sflag:$0x1] =	stream.indirect_vreg.gather [hbm4b:s4+s3], $0x80, v4, vm1, $0xb8;
	[tilespmem:$0xC080] =	vst v63  }
0x78: {  	_ = 	snop  }
0x79: {  	[tilespmem:s21], [sflag:$0x1] =	stream.indirect_vreg.gather [hbm4b:s2+s3], $0x80, v3, vm0, $0xb8;
	[tilespmem:$0xC080] =	vst v63  }
0x7a: {  	_ = 	snop  }
0x7b: {  	[tilespmem:s22], [sflag:$0x1] =	stream.indirect_vreg.gather [hbm4b:s4+s3], $0x80, v3, vm1, $0xb8;
	[tilespmem:$0xC080] =	vst v63  }
0x7c: {  	v3 =	vld [tilespmem:$0x60];
	_ =	sdelay $0x4  }
0x7d: {  	v62 =	vshrl.u32 v3, $0x3  }
0x7e: {  	v4 =	vmul.u32 $0x18, v62  }
0x7f: {  	v3 =	vand.u32 $0x7, v3  }
0x80: {  	v3 =	vor.u32 v3, v4  }
0x81: {  	v4 =	vperm.xlane v3, v0;
	_ =	sdelay $0x1  }
0x82: {  	v4 =	vadd.s32 v1, v4;
	_ =	sdelay $0x1  }
0x83: {  	v3 =	vperm.xlane v3, v2;
	_ =	sdelay $0x1  }
0x84: {  	v3 =	vadd.s32 v1, v3  }
0x85: {  	[tilespmem:s23], [sflag:$0x1] =	stream.indirect_vreg.gather [hbm4b:s2+s3], $0x80, v4, vm0, $0xb8;
	[tilespmem:$0xC080] =	vst v63  }
0x86: {  	_ = 	snop  }
0x87: {  	[tilespmem:s24], [sflag:$0x1] =	stream.indirect_vreg.gather [hbm4b:s4+s3], $0x80, v4, vm1, $0xb8;
	[tilespmem:$0xC080] =	vst v63  }
0x88: {  	_ = 	snop  }
0x89: {  	[tilespmem:s25], [sflag:$0x1] =	stream.indirect_vreg.gather [hbm4b:s2+s3], $0x80, v3, vm0, $0xb8;
	[tilespmem:$0xC080] =	vst v63  }
0x8a: {  	_ = 	snop  }
0x8b: {  	[tilespmem:s26], [sflag:$0x1] =	stream.indirect_vreg.gather [hbm4b:s4+s3], $0x80, v3, vm1, $0xb8;
	[tilespmem:$0xC080] =	vst v63  }
0x8c: {  	v3 =	vld [tilespmem:$0x70];
	_ =	sdelay $0x4  }
0x8d: {  	v63 =	vshrl.u32 v3, $0x3  }
0x8e: {  	v4 =	vmul.u32 $0x18, v63  }
0x8f: {  	v3 =	vand.u32 $0x7, v3  }
0x90: {  	v3 =	vor.u32 v3, v4  }
0x91: {  	v4 =	vperm.xlane v3, v0;
	_ =	sdelay $0x1  }
0x92: {  	v4 =	vadd.s32 v1, v4;
	_ =	sdelay $0x1  }
0x93: {  	v3 =	vperm.xlane v3, v2;
	_ =	sdelay $0x1  }
0x94: {  	v3 =	vadd.s32 v1, v3  }
0x95: {  	[tilespmem:s28], [sflag:$0x1] =	stream.indirect_vreg.gather [hbm4b:s2+s3], $0x80, v4, vm0, $0xb8;
	[tilespmem:$0xC080] =	vst v63  }
0x96: {  	_ = 	snop  }
0x97: {  	[tilespmem:s29], [sflag:$0x1] =	stream.indirect_vreg.gather [hbm4b:s4+s3], $0x80, v4, vm1, $0xb8;
	[tilespmem:$0xC080] =	vst v63  }
0x98: {  	_ = 	snop  }
0x99: {  	[tilespmem:s30], [sflag:$0x1] =	stream.indirect_vreg.gather [hbm4b:s2+s3], $0x80, v3, vm0, $0xb8;
	[tilespmem:$0xC080] =	vst v63  }
0x9a: {  	_ = 	snop  }
0x9b: {  	[tilespmem:s31], [sflag:$0x1] =	stream.indirect_vreg.gather [hbm4b:s4+s3], $0x80, v3, vm1, $0xb8;
	[tilespmem:$0xC080] =	vst v63  }
0x9c: {  	_ =	swait.ge [sflag:s1], $0xC000  }
0x9d: {  	p0 =	sne.s32 s5, $0x1;
	[sflag:s1] =	ssyncset.done $0x0  }
.Ltmp0:
0x9e: {  	s8 =	rddreg [dreg:$0x4];
	[sflag:s1] =	ssyncadd.s32 $0xFFFF4000;
	(pc) =	sbr.rel @p0 .LBB2_1-.Ltmp0, $4  }
0x9f: {  	[hbm4b:s8+s3] =	stream.linear.scatter [tilespmem:s7], [sflag:$0x2], $0xC000, $0x38;
	[tilespmem:$0xC080] =	vst v63  }
0xa0: {  	_ =	swait.ge [sflag:s6], $0xC000  }
0xa1: {  	[sflag:s6] =	ssyncset.done $0x0  }
0xa2: {  	s5 =	sadd.s32 $0xFFFFFFFF, s5;
	[sflag:s6] =	ssyncadd.s32 $0xFFFF4000  }
0xa3: {  	_ =	sfence.sel $0x180000  }
0xa4: {  	[bflag:$0x0] =	sbarrier.arrive $0xFFFF  }
0xa5: {  	_ =	strace $0x9000004A  }
0xa6: {  	s0 =	stileid.u32;
	[bflag:$0x2] =	sbarrier.arrive $0xFFFF  }
0xa7: {  	p0 =	sne.s32 s0, $0x0;
	s0 =	rddreg [dreg:$0x2]  }
0xa8: {  	s0 =	sadd.s32 @!p0 $0x100000, s0  }
0xa9: {  	[sflag:s0] =	ssyncadd.tile.s32 @!p0 $0x1;
	_ =	shalt  }
.Lfunc_end2:
_tile_overlayer_lowered:
.L_overlay_start_2:
0xaa: {  	(tag) =	ssettag $0x2  }
0xab: {  	s0 =	rddreg [dreg:$0x0];
	s2 =	stileid.u32  }
0xac: {  	s1 =	rddreg [dreg:$0x1];
	p0 =	sne.s32 s2, $0x0  }
0xad: {  	s3 =	rddreg [dreg:$0x2];
	[bflag:$0x3] =	sbarrier.arrive $0xFFFF;
	s2 =	simm.s32 @!p0 $0x1C02  }
0xae: {  	[timem:s3], [sflag:s2] =	dma.local @!p0 [hbm:s0], s1  }
0xaf: {  	s0 =	simm.s32 @!p0 $0x2  }
0xb0: {  	_ =	swait.ge @!p0 [sflag:s0], s1  }
0xb1: {  	s1 =	ssub.s32 @!p0 $0x0, s1;
	[sflag:s0] =	ssyncset.done @!p0 $0x0  }
0xb2: {  	[sflag:s0] =	ssyncadd.s32 @!p0 s1  }
0xb3: {  	[bflag:$0x3] =	sbarrier.arrive $0xFFFF  }
0xb4: {  	_ =	shalt  }

// kernel: kernel.7.cloned.1.call-start
scs
__scs_entry_jumppad:
0x0: {  	(pc) =	sbr.rel $0x88, $3  }
0x1: {  	(tag) =	ssettag $0x0;
	lr =	simm.s32 $0x1  }
0x2: {  	[smem:$0x3F99] =	sst lr;
	_ =	strace $0xD0000000  }
0x3: {  	_ = 	snop  }
0x4: {  	_ = 	snop  }
0x5: {  	_ = 	snop  }
0x6: {  	_ = 	snop  }
0x7: {  	_ = 	snop  }
__scs_overlays_trampoline_lowered:
0x8: {  	[smem:$0x3FA8] =	sst s0  }
0x9: {  	[smem:$0x3FA9] =	sst s1  }
0xa: {  	[smem:$0x3FAA] =	sst s2  }
0xb: {  	[smem:$0x3FAB] =	sst s3  }
0xc: {  	[smem:$0x3FAC] =	sst s4  }
0xd: {  	[smem:$0x3FAD] =	sst s5  }
0xe: {  	[smem:$0x3FAE] =	sst s6  }
0xf: {  	[smem:$0x3FAF] =	sst s7  }
0x10: {  	[smem:$0x3FB0] =	sst s8  }
0x11: {  	[smem:$0x3FB1] =	sst s9;
	s0 =	simm.s32 @!p0 $0x0  }
0x12: {  	s1 =	sld [smem:$0x3F97];
	s0 =	simm.s32 @p0 $0x1  }
0x13: {  	[smem:$0x3FB2] =	sst s0;
	s0 =	simm.s32 @!p1 $0x0  }
0x14: {  	s2 =	sld [smem:$0x3F96];
	s0 =	simm.s32 @p1 $0x1  }
0x15: {  	[smem:$0x3FB3] =	sst s0;
	s0 =	simm.s32 @!p2 $0x0  }
0x16: {  	s3 =	sld [smem:$0x3FDB];
	s0 =	simm.s32 @p2 $0x1  }
0x17: {  	s4 =	simm.s32 $0x1BF5;
	[smem:$0x3FB5] =	sst s0  }
0x18: {  	s0 =	sld [smem:$0x3F98];
	_ =	swait.ge [sflag:s4], $0x0  }
0x19: {  	s7 =	sld [smem:$0x3F99]  }
0x1a: {  	s8 =	sadd.s32 $0xFFFFE003, lr  }
0x1b: {  	s9 =	sadd.s32 $0xFFFFFEF7, lr;
	s5 =	simm.s32 $0xFFFFFFFF;
	p2 =	slt.u32 s8, $0xFFFFF086  }
0x1c: {  	p1 =	slt.u32 s9, $0xF7A;
	s5 =	simm.s32 @!p2 $0x0  }
0x1d: {  	s5 =	simm.s32 @p1 $0x1;
	p0 =	seq.s32 s7, s2  }
0x1e: {  	s7 =	smul.u32 @!p0 $0xF7A, s2;
	p2 =	seq.s32 @!p0 s5, $0x0  }
0x1f: {  	s9 =	smul.u32 $0xF7A, s1;
	s8 =	simm.s32 @!p0 $0x1BF5;
	p2 =	por !p2, p0  }
0x20: {  	[sflag:s8] =	ssyncset.s32 @!p0 $0xFFFFF086;
	s6 =	sadd.s32 @!p0 s3, s7;
	s7 =	simm.s32 @!p0 $0x108  }
0x21: {  	s3 =	sadd.s32 s3, s9;
	s6 =	sadd.s32 @!p0 $0x88, s6;
	s7 =	simm.s32 @p2 $0x1082  }
0x22: {  	[simem:s7], [sflag:s8] =	dma.local @!p0 [hbm:s6], $0xF7A  }
0x23: {  	s9 =	sor.u32 $0xD0000000, s2;
	s6 =	simm.s32 $0x108;
	_ =	swait.ge @!p0 [sflag:s8], $0x0  }
0x24: {  	s3 =	sadd.s32 $0x88, s3;
	s6 =	simm.s32 @!p1 $0x1082;
	[sflag:s4] =	ssyncset.s32 $0xFFFFF086  }
0x25: {  	[simem:s6], [sflag:s4] =	dma.local [hbm:s3], $0xF7A  }
0x26: {  	[smem:$0x3F99] =	sst s1;
	(tag) =	ssettag s2;
	_ =	strace s9  }
0x27: {  	s1 =	sld [smem:$0x3FA9]  }
0x28: {  	s2 =	sld [smem:$0x3FAA]  }
0x29: {  	s4 =	sld [smem:$0x3FAC]  }
0x2a: {  	p0 =	seq.s32 s5, $0x0;
	s5 =	sld [smem:$0x3FAD]  }
0x2b: {  	s6 =	sld [smem:$0x3FAE]  }
0x2c: {  	s7 =	sld [smem:$0x3FAF]  }
0x2d: {  	s3 =	simm.s32 $0x108;
	s8 =	sld [smem:$0x3FB0]  }
0x2e: {  	s3 =	simm.s32 @!p0 $0x1082;
	s9 =	sld [smem:$0x3FB1]  }
0x2f: {  	lr =	sadd.s32 s0, s3;
	s0 =	sld [smem:$0x3FA8]  }
0x30: {  	s3 =	sld [smem:$0x3FAB]  }
0x31: {  	[smem:$0x3FB4] =	sst s10  }
0x32: {  	s10 =	sld [smem:$0x3FB2];
	_ =	sdelay $0x3  }
0x33: {  	p0 =	seq.s32 s10, $0x1;
	s10 =	sld [smem:$0x3FB4];
	_ =	sdelay $0x3  }
0x34: {  	[smem:$0x3FB4] =	sst s10  }
0x35: {  	s10 =	sld [smem:$0x3FB3];
	_ =	sdelay $0x3  }
0x36: {  	p1 =	seq.s32 s10, $0x1;
	s10 =	sld [smem:$0x3FB4];
	_ =	sdelay $0x3  }
0x37: {  	[smem:$0x3FB4] =	sst s10  }
0x38: {  	s10 =	sld [smem:$0x3FB5]  }
0x39: {  	_ = 	snop;
	(pc) =	sbr.ind lr, $3  }
0x3a: {  	_ = 	snop  }
0x3b: {  	_ = 	snop  }
0x3c: {  	p2 =	seq.s32 s10, $0x1;
	s10 =	sld [smem:$0x3FB4]  }
0x3d: {  	_ =	shalt  }
0x3e: {  	_ =	shalt  }
0x3f: {  	_ =	shalt  }
0x40: {  	_ =	shalt  }
0x41: {  	_ =	shalt  }
0x42: {  	_ =	shalt  }
0x43: {  	_ =	shalt  }
0x44: {  	_ =	shalt  }
0x45: {  	_ =	shalt  }
0x46: {  	_ =	shalt  }
0x47: {  	_ =	shalt  }
0x48: {  	_ =	shalt  }
0x49: {  	_ =	shalt  }
0x4a: {  	_ =	shalt  }
0x4b: {  	_ =	shalt  }
0x4c: {  	_ =	shalt  }
0x4d: {  	_ =	shalt  }
0x4e: {  	_ =	shalt  }
0x4f: {  	_ =	shalt  }
0x50: {  	_ =	shalt  }
0x51: {  	_ =	shalt  }
0x52: {  	_ =	shalt  }
0x53: {  	_ =	shalt  }
0x54: {  	_ =	shalt  }
0x55: {  	_ =	shalt  }
0x56: {  	_ =	shalt  }
0x57: {  	_ =	shalt  }
0x58: {  	_ =	shalt  }
0x59: {  	_ =	shalt  }
0x5a: {  	_ =	shalt  }
0x5b: {  	_ =	shalt  }
0x5c: {  	_ =	shalt  }
0x5d: {  	_ =	shalt  }
0x5e: {  	_ =	shalt  }
0x5f: {  	_ =	shalt  }
0x60: {  	_ =	shalt  }
0x61: {  	_ =	shalt  }
0x62: {  	_ =	shalt  }
0x63: {  	_ =	shalt  }
0x64: {  	_ =	shalt  }
0x65: {  	_ =	shalt  }
0x66: {  	_ =	shalt  }
0x67: {  	_ =	shalt  }
0x68: {  	_ =	shalt  }
0x69: {  	_ =	shalt  }
0x6a: {  	_ =	shalt  }
0x6b: {  	_ =	shalt  }
0x6c: {  	_ =	shalt  }
0x6d: {  	_ =	shalt  }
0x6e: {  	_ =	shalt  }
0x6f: {  	_ =	shalt  }
0x70: {  	_ =	shalt  }
0x71: {  	_ =	shalt  }
0x72: {  	_ =	shalt  }
0x73: {  	_ =	shalt  }
0x74: {  	_ =	shalt  }
0x75: {  	_ =	shalt  }
0x76: {  	_ =	shalt  }
0x77: {  	_ =	shalt  }
0x78: {  	_ =	shalt  }
0x79: {  	_ =	shalt  }
0x7a: {  	_ =	shalt  }
0x7b: {  	_ =	shalt  }
0x7c: {  	_ =	shalt  }
0x7d: {  	_ =	shalt  }
0x7e: {  	_ =	shalt  }
0x7f: {  	_ =	shalt  }
0x80: {  	_ =	shalt  }
0x81: {  	_ =	shalt  }
0x82: {  	_ =	shalt  }
0x83: {  	_ =	shalt  }
0x84: {  	_ =	shalt  }
0x85: {  	_ =	shalt  }
0x86: {  	_ =	shalt  }
0x87: {  	_ =	shalt  }
.Lfunc_end0:
.L_simem_size_0:
called_computation_lowered:
.L_overlay_start_0:
0x88: {  	s2 =	sld [smem:$0x3FD9]  }
0x89: {  	s3 =	sld [smem:$0x3FFE];
	_ =	sdelay $0x1  }
0x8a: {  	s1 =	srdreg.scid  }
0x8b: {  	s0 =	sand.u32 $0x1, s1  }
0x8c: {  	s14 =	sshll.u32 s0, $0xA;
	s2 =	sadd.s32 s3, s2  }
0x8d: {  	s2 =	sadd.s32 s2, s14  }
0x8e: {  	[smem:$0x3FC0] =	sst s2  }
0x8f: {  	_ = 	snop  }
0x90: {  	s2 =	sld [smem:$0x3FD0];
	_ =	sdelay $0x2  }
0x91: {  	s15 =	simm.s32 $0xA;
	s4 =	simm.s32 $0x10  }
0x92: {  	[smem:s4], [sflag:s15] =	dma.local [hbm:s2], $0x1  }
0x93: {  	_ =	swait.eq [sflag:s15], $0x1  }
0x94: {  	[sflag:s15] =	ssyncset.done $0x0  }
0x95: {  	[sflag:s15] =	ssyncadd.s32 $0xFFFFFFFF  }
0x96: {  	s16 =	sld [smem:$0x10];
	(tm) =	ssettm $0x1  }
0x97: {  	s17 =	sld [smem:$0x3FFB];
	_ =	sdelay $0x3  }
0x98: {  	_ =	strace s17  }
0x99: {  	s3 =	sld [smem:$0x3FFC];
	_ =	sdelay $0x3  }
0x9a: {  	_ =	strace s3  }
0x9b: {  	s3 =	sld [smem:$0x3FFD];
	_ =	sdelay $0x3  }
0x9c: {  	_ =	strace s3  }
0x9d: {  	_ =	strace $0x8FFFFFFF  }
0x9e: {  	s18 =	sld [smem:$0x3FDB];
	_ =	sdelay $0x1  }
0x9f: {  	s19 =	simm.s32 $_scs_section_size  }
0xa0: {  	s5 =	simm.s32 $_size__tile_overlayer_lowered;
	s6 =	simm.s32 $_tile_overlayer_lowered  }
0xa1: {  	s22 =	simm.s32 $0x1BFF;
	s21 =	sshll.u32 s6, $0x1;
	s3 =	sadd.s32 s19, s18  }
0xa2: {  	s7 =	simm.s32 $0x0;
	s20 =	sshll.u32 s5, $0x1;
	s5 =	sadd.s32 s21, s3  }
0xa3: {  	[timem:s7], [sflag:s22] =	dma.local [hbm:s5], s20  }
0xa4: {  	_ =	swait.ge [sflag:s22], s20  }
0xa5: {  	s4 =	ssub.s32 $0x0, s20;
	[sflag:s22] =	ssyncset.done $0x0  }
0xa6: {  	[sflag:s22] =	ssyncadd.s32 s4;
	_ =	sdelay $0x1  }
0xa7: {  	s23 =	simm.s32 $0x1B8B  }
0xa8: {  	_ =	swait.ge [sflag:s23], $0x1  }
0xa9: {  	[sflag:s23] =	ssyncset.done $0x0  }
0xaa: {  	s25 =	simm.s32 $0x1B8E;
	s24 =	sld [smem:$0x3FFE];
	[sflag:s23] =	ssyncadd.s32 $0xFFFFFFFF  }
0xab: {  	s26 =	simm.s32 $execute0_lowered;
	[smem:$0x3FD2] =	sst s25  }
0xac: {  	s5 =	sshll.u32 s26, $0x1;
	_ =	strace $0x80000046;
	[dreg:$0x1] =	wrdreg $0xFFFFFFFF  }
0xad: {  	s28 =	simm.s32 $_size_execute0_lowered;
	s3 =	sadd.s32 s3, s5;
	[dreg:$0x0] =	wrdreg $0x0  }
0xae: {  	s5 =	sshll.u32 s28, $0x1;
	[dreg:$0x2] =	wrdreg s3  }
0xaf: {  	[dreg:$0x3] =	wrdreg s5  }
0xb0: {  	[dreg:$0x4] =	wrdreg $0xC0  }
0xb1: {  	_ =	task [dreg:s7], $0x5FFFF  }
0xb2: {  	[dreg:$0x1] =	wrdreg $0xFFFFFFFF  }
0xb3: {  	[dreg:$0x0] =	wrdreg $0x60  }
0xb4: {  	[dreg:$0x2] =	wrdreg s24  }
0xb5: {  	[dreg:$0x3] =	wrdreg s16  }
0xb6: {  	[dreg:$0x4] =	wrdreg $0x9  }
0xb7: {  	_ =	task.clear_ibuf [dreg:s7], $0x5FFFF;
	_ =	strace $0x90000046  }
0xb8: {  	s29 =	simm.s32 $0x9;
	_ =	strace $0x80000048  }
0xb9: {  	_ =	swait.ge [sflag:s29], $0x1  }
0xba: {  	[sflag:s29] =	ssyncadd.s32 $0xFFFFFFFF  }
0xbb: {  	_ =	strace $0x90000048  }
0xbc: {  	_ =	sfence  }
0xbd: {  	s30 =	sld [smem:$0x0];
	_ =	sdelay $0x2  }
0xbe: {  	s31 =	sshll.u32 s1, $0xD;
	s1 =	sshrl.u32 s1, $0x2  }
0xbf: {  	s3 =	sand.u32 $0x4000, s31;
	s1 =	sadd.s32 s1, s30  }
0xc0: {  	s0 =	sor.u32 s3, s0;
	s1 =	sshll.u32 s1, $0x11  }
0xc1: {  	s0 =	sor.u32 s1, s0  }
0xc2: {  	s0 =	sadd.s32 $0x8F2B, s0  }
0xc3: {  	[sflag:s0] =	ssyncadd.remote.s32 $0x1  }
0xc4: {  	_ =	sfence.sel $0xFFFF  }
0xc5: {  	[dreg:$0x0] =	wrdreg $0xFFFFFFFF;
	(pc) =	sbr.abs _section_cstart, $3  }
0xc6: {  	[dreg:$0x1] =	wrdreg $0xFFFFFFFF  }
0xc7: {  	_ =	task.clear_ibuf [dreg:s7], $0x2FFFF;
	_ =	strace $0x9FFFFFFF  }
0xc8: {  	(tm) =	ssettm $0x7FFFFFFF  }
0xc9: {  	_ =	shalt  }
tec
execute0_lowered:
.L_overlay_start_1:
0x0: {  	(tag) =	ssettag $0x1  }
0x1: {  	s1 =	srdreg.scid;
	s4 =	rddreg [dreg:$0x0]  }
0x2: {  	s0 =	stileid.u32;
	s2 =	rddreg [dreg:$0x1]  }
0x3: {  	s18 =	simm.s32 $0x880;
	s19 =	simm.s32 $0xC80;
	s20 =	simm.s32 $0x1480  }
0x4: {  	s21 =	simm.s32 $0x1880;
	s23 =	simm.s32 $0x2080;
	s24 =	simm.s32 $0x2480  }
0x5: {  	s25 =	simm.s32 $0x2C80;
	s26 =	simm.s32 $0x3080;
	s7 =	simm.s32 $0x80  }
0x6: {  	s9 =	simm.s32 $0x3C80;
	s10 =	simm.s32 $0x4480;
	s1 =	sand.u32 $0x1, s1  }
0x7: {  	s11 =	simm.s32 $0x4880;
	s3 =	sshll.u32 s0, $0x5;
	s5 =	sshll.u32 s1, $0x4  }
0x8: {  	s12 =	simm.s32 $0x5080;
	s5 =	sor.u32 s5, s3;
	s3 =	simm.s32 $0x0  }
0x9: {  	s13 =	simm.s32 $0x5480;
	s14 =	simm.s32 $0x5C80;
	[smem:$0x7FF] =	sst s3  }
0xa: {  	s15 =	simm.s32 $0x6080;
	_ =	strace $0x80000047;
	[dreg:$0x5] =	wrdreg s18  }
0xb: {  	s16 =	simm.s32 $0x6880;
	s17 =	simm.s32 $0x6C80;
	[dreg:$0x6] =	wrdreg s19  }
0xc: {  	s28 =	simm.s32 $0xA880;
	s29 =	simm.s32 $0xB080;
	[dreg:$0x7] =	wrdreg s20  }
0xd: {  	s30 =	simm.s32 $0xB480;
	s1 =	ssub.s32 $0x2, s1;
	[dreg:$0x8] =	wrdreg s21  }
0xe: {  	s31 =	simm.s32 $0xBC80;
	s22 =	sshrl.u32 s1, $0x1;
	[dreg:$0x9] =	wrdreg s23  }
0xf: {  	s6 =	smul.u32 $0x180, s5;
	s5 =	sadd.s32 s5, s4;
	[dreg:$0xa] =	wrdreg s24  }
0x10: {  	s1 =	ssub.s32 s1, s22;
	s22 =	simm.s32 $0x8C80;
	[dreg:$0xb] =	wrdreg s25  }
0x11: {  	s5 =	sadd.s32 $0x30C00, s5;
	[dreg:$0xc] =	wrdreg s26;
	s18 =	simm.s32 $0x7480  }
0x12: {  	s19 =	simm.s32 $0x7880;
	s20 =	simm.s32 $0x8080;
	s21 =	simm.s32 $0x8480  }
0x13: {  	s23 =	simm.s32 $0x9080;
	s24 =	simm.s32 $0x9880;
	s25 =	simm.s32 $0x9C80  }
0x14: {  	v2 =	vlaneseq.u32;
	s26 =	simm.s32 $0xA480;
	s4 =	sadd.s32 s6, s4;
	[dreg:$0x3] =	wrdreg s5  }
0x15: {  	vm0 =	vmmov $0xffff;
	vm1 =	vmmov $0xff;
	v1 =	vshrl.u32 v2, $0x3;
	s5 =	smax.u32 s1, $0x1;
	s6 =	simm.s32 $0x2;
	s4 =	sadd.s32 $0xC00, s4  }
0x16: {  	v0 =	vand.u32 $0x7, v2;
	v2 =	vor.u32 $0x8, v2;
	v1 =	vmul.u32 $0x8, v1;
	s1 =	simm.s32 $0x1;
	[dreg:$0x4] =	wrdreg s4;
	s4 =	sadd.s32 $0x100, s2  }
.LBB2_1:
0x17: {  	s0 =	rddreg [dreg:$0x3]  }
0x18: {  	[tilespmem:s3], [sflag:$0x2] =	stream.linear.gather [hbm4b:s0+s3], $0x80, $0x38;
	[tilespmem:$0xC080] =	vst v63  }
0x19: {  	_ =	swait.ge [sflag:s6], $0x80  }
0x1a: {  	[sflag:s6] =	ssyncset.done $0x0  }
0x1b: {  	s8 =	rddreg [dreg:$0x4];
	[sflag:s6] =	ssyncadd.s32 $0xFFFFFF80  }
0x1c: {  	[tilespmem:s7], [sflag:$0x2] =	stream.linear.gather [hbm4b:s8+s3], $0xC000, $0x38;
	[tilespmem:$0xC080] =	vst v63  }
0x1d: {  	_ =	swait.ge [sflag:s6], $0xC000  }
0x1e: {  	[sflag:s6] =	ssyncset.done $0x0  }
0x1f: {  	[sflag:s6] =	ssyncadd.s32 $0xFFFF4000  }
0x20: {  	v3 =	vld [tilespmem:$0x0];
	_ =	sdelay $0x4  }
0x21: {  	v4 =	vshrl.u32 v3, $0x3  }
0x22: {  	v4 =	vmul.u32 $0x18, v4  }
0x23: {  	v3 =	vand.u32 $0x7, v3  }
0x24: {  	v3 =	vor.u32 v3, v4  }
0x25: {  	v4 =	vperm.xlane v3, v0;
	_ =	sdelay $0x1  }
0x26: {  	v4 =	vadd.s32 v1, v4;
	_ =	sdelay $0x1  }
0x27: {  	v3 =	vperm.xlane v3, v2;
	_ =	sdelay $0x1  }
0x28: {  	v3 =	vadd.s32 v1, v3  }
0x29: {  	[hbm4b:s2+s3] =	stream.indirect_vreg.scatter [tilespmem:s7], [sflag:$0x1], $0x80, v4, vm0, $0xb8;
	[tilespmem:$0xC080] =	vst v63  }
0x2a: {  	s0 =	rddreg [dreg:$0x5]  }
0x2b: {  	[hbm4b:s4+s3] =	stream.indirect_vreg.scatter [tilespmem:s0], [sflag:$0x1], $0x80, v4, vm1, $0xb8;
	[tilespmem:$0xC080] =	vst v63  }
0x2c: {  	s8 =	rddreg [dreg:$0x6]  }
0x2d: {  	[hbm4b:s2+s3] =	stream.indirect_vreg.scatter [tilespmem:s8], [sflag:$0x1], $0x80, v3, vm0, $0xb8;
	[tilespmem:$0xC080] =	vst v63  }
0x2e: {  	s0 =	rddreg [dreg:$0x7]  }
0x2f: {  	[hbm4b:s4+s3] =	stream.indirect_vreg.scatter [tilespmem:s0], [sflag:$0x1], $0x80, v3, vm1, $0xb8;
	[tilespmem:$0xC080] =	vst v63  }
0x30: {  	v3 =	vld [tilespmem:$0x10];
	_ =	sdelay $0x4  }
0x31: {  	v57 =	vshrl.u32 v3, $0x3  }
0x32: {  	v4 =	vmul.u32 $0x18, v57  }
0x33: {  	v3 =	vand.u32 $0x7, v3  }
0x34: {  	v3 =	vor.u32 v3, v4  }
0x35: {  	v4 =	vperm.xlane v3, v0;
	_ =	sdelay $0x1  }
0x36: {  	v4 =	vadd.s32 v1, v4;
	_ =	sdelay $0x1  }
0x37: {  	v3 =	vperm.xlane v3, v2;
	_ =	sdelay $0x1  }
0x38: {  	s0 =	rddreg [dreg:$0x8];
	v3 =	vadd.s32 v1, v3  }
0x39: {  	[hbm4b:s2+s3] =	stream.indirect_vreg.scatter [tilespmem:s0], [sflag:$0x1], $0x80, v4, vm0, $0xb8;
	[tilespmem:$0xC080] =	vst v63  }
0x3a: {  	s8 =	rddreg [dreg:$0x9]  }
0x3b: {  	[hbm4b:s4+s3] =	stream.indirect_vreg.scatter [tilespmem:s8], [sflag:$0x1], $0x80, v4, vm1, $0xb8;
	[tilespmem:$0xC080] =	vst v63  }
0x3c: {  	s0 =	rddreg [dreg:$0xa]  }
0x3d: {  	[hbm4b:s2+s3] =	stream.indirect_vreg.scatter [tilespmem:s0], [sflag:$0x1], $0x80, v3, vm0, $0xb8;
	[tilespmem:$0xC080] =	vst v63  }
0x3e: {  	s8 =	rddreg [dreg:$0xb]  }
0x3f: {  	[hbm4b:s4+s3] =	stream.indirect_vreg.scatter [tilespmem:s8], [sflag:$0x1], $0x80, v3, vm1, $0xb8;
	[tilespmem:$0xC080] =	vst v63  }
0x40: {  	v3 =	vld [tilespmem:$0x20];
	_ =	sdelay $0x4  }
0x41: {  	v58 =	vshrl.u32 v3, $0x3  }
0x42: {  	v4 =	vmul.u32 $0x18, v58  }
0x43: {  	v3 =	vand.u32 $0x7, v3  }
0x44: {  	v3 =	vor.u32 v3, v4  }
0x45: {  	v4 =	vperm.xlane v3, v0;
	_ =	sdelay $0x1  }
0x46: {  	v4 =	vadd.s32 v1, v4;
	_ =	sdelay $0x1  }
0x47: {  	v3 =	vperm.xlane v3, v2;
	_ =	sdelay $0x1  }
0x48: {  	s8 =	rddreg [dreg:$0xc];
	v3 =	vadd.s32 v1, v3  }
0x49: {  	[hbm4b:s2+s3] =	stream.indirect_vreg.scatter [tilespmem:s8], [sflag:$0x1], $0x80, v4, vm0, $0xb8;
	[tilespmem:$0xC080] =	vst v63  }
0x4a: {  	s8 =	simm.s32 $0x3880  }
0x4b: {  	[hbm4b:s4+s3] =	stream.indirect_vreg.scatter [tilespmem:s8], [sflag:$0x1], $0x80, v4, vm1, $0xb8;
	[tilespmem:$0xC080] =	vst v63  }
0x4c: {  	_ = 	snop  }
0x4d: {  	[hbm4b:s2+s3] =	stream.indirect_vreg.scatter [tilespmem:s9], [sflag:$0x1], $0x80, v3, vm0, $0xb8;
	[tilespmem:$0xC080] =	vst v63  }
0x4e: {  	_ = 	snop  }
0x4f: {  	[hbm4b:s4+s3] =	stream.indirect_vreg.scatter [tilespmem:s10], [sflag:$0x1], $0x80, v3, vm1, $0xb8;
	[tilespmem:$0xC080] =	vst v63  }
0x50: {  	v3 =	vld [tilespmem:$0x30];
	_ =	sdelay $0x4  }
0x51: {  	v59 =	vshrl.u32 v3, $0x3  }
0x52: {  	v4 =	vmul.u32 $0x18, v59  }
0x53: {  	v3 =	vand.u32 $0x7, v3  }
0x54: {  	v3 =	vor.u32 v3, v4  }
0x55: {  	v4 =	vperm.xlane v3, v0;
	_ =	sdelay $0x1  }
0x56: {  	v4 =	vadd.s32 v1, v4;
	_ =	sdelay $0x1  }
0x57: {  	v3 =	vperm.xlane v3, v2;
	_ =	sdelay $0x1  }
0x58: {  	v3 =	vadd.s32 v1, v3  }
0x59: {  	[hbm4b:s2+s3] =	stream.indirect_vreg.scatter [tilespmem:s11], [sflag:$0x1], $0x80, v4, vm0, $0xb8;
	[tilespmem:$0xC080] =	vst v63  }
0x5a: {  	_ = 	snop  }
0x5b: {  	[hbm4b:s4+s3] =	stream.indirect_vreg.scatter [tilespmem:s12], [sflag:$0x1], $0x80, v4, vm1, $0xb8;
	[tilespmem:$0xC080] =	vst v63  }
0x5c: {  	_ = 	snop  }
0x5d: {  	[hbm4b:s2+s3] =	stream.indirect_vreg.scatter [tilespmem:s13], [sflag:$0x1], $0x80, v3, vm0, $0xb8;
	[tilespmem:$0xC080] =	vst v63  }
0x5e: {  	_ = 	snop  }
0x5f: {  	[hbm4b:s4+s3] =	stream.indirect_vreg.scatter [tilespmem:s14], [sflag:$0x1], $0x80, v3, vm1, $0xb8;
	[tilespmem:$0xC080] =	vst v63  }
0x60: {  	v3 =	vld [tilespmem:$0x40];
	_ =	sdelay $0x4  }
0x61: {  	v60 =	vshrl.u32 v3, $0x3  }
0x62: {  	v4 =	vmul.u32 $0x18, v60  }
0x63: {  	v3 =	vand.u32 $0x7, v3  }
0x64: {  	v3 =	vor.u32 v3, v4  }
0x65: {  	v4 =	vperm.xlane v3, v0;
	_ =	sdelay $0x1  }
0x66: {  	v4 =	vadd.s32 v1, v4;
	_ =	sdelay $0x1  }
0x67: {  	v3 =	vperm.xlane v3, v2;
	_ =	sdelay $0x1  }
0x68: {  	v3 =	vadd.s32 v1, v3  }
0x69: {  	[hbm4b:s2+s3] =	stream.indirect_vreg.scatter [tilespmem:s15], [sflag:$0x1], $0x80, v4, vm0, $0xb8;
	[tilespmem:$0xC080] =	vst v63  }
0x6a: {  	_ = 	snop  }
0x6b: {  	[hbm4b:s4+s3] =	stream.indirect_vreg.scatter [tilespmem:s16], [sflag:$0x1], $0x80, v4, vm1, $0xb8;
	[tilespmem:$0xC080] =	vst v63  }
0x6c: {  	_ = 	snop  }
0x6d: {  	[hbm4b:s2+s3] =	stream.indirect_vreg.scatter [tilespmem:s17], [sflag:$0x1], $0x80, v3, vm0, $0xb8;
	[tilespmem:$0xC080] =	vst v63  }
0x6e: {  	_ = 	snop  }
0x6f: {  	[hbm4b:s4+s3] =	stream.indirect_vreg.scatter [tilespmem:s18], [sflag:$0x1], $0x80, v3, vm1, $0xb8;
	[tilespmem:$0xC080] =	vst v63  }
0x70: {  	v3 =	vld [tilespmem:$0x50];
	_ =	sdelay $0x4  }
0x71: {  	v61 =	vshrl.u32 v3, $0x3  }
0x72: {  	v4 =	vmul.u32 $0x18, v61  }
0x73: {  	v3 =	vand.u32 $0x7, v3  }
0x74: {  	v3 =	vor.u32 v3, v4  }
0x75: {  	v4 =	vperm.xlane v3, v0;
	_ =	sdelay $0x1  }
0x76: {  	v4 =	vadd.s32 v1, v4;
	_ =	sdelay $0x1  }
0x77: {  	v3 =	vperm.xlane v3, v2;
	_ =	sdelay $0x1  }
0x78: {  	v3 =	vadd.s32 v1, v3  }
0x79: {  	[hbm4b:s2+s3] =	stream.indirect_vreg.scatter [tilespmem:s19], [sflag:$0x1], $0x80, v4, vm0, $0xb8;
	[tilespmem:$0xC080] =	vst v63  }
0x7a: {  	_ = 	snop  }
0x7b: {  	[hbm4b:s4+s3] =	stream.indirect_vreg.scatter [tilespmem:s20], [sflag:$0x1], $0x80, v4, vm1, $0xb8;
	[tilespmem:$0xC080] =	vst v63  }
0x7c: {  	_ = 	snop  }
0x7d: {  	[hbm4b:s2+s3] =	stream.indirect_vreg.scatter [tilespmem:s21], [sflag:$0x1], $0x80, v3, vm0, $0xb8;
	[tilespmem:$0xC080] =	vst v63  }
0x7e: {  	_ = 	snop  }
0x7f: {  	[hbm4b:s4+s3] =	stream.indirect_vreg.scatter [tilespmem:s22], [sflag:$0x1], $0x80, v3, vm1, $0xb8;
	[tilespmem:$0xC080] =	vst v63  }
0x80: {  	v3 =	vld [tilespmem:$0x60];
	_ =	sdelay $0x4  }
0x81: {  	v62 =	vshrl.u32 v3, $0x3  }
0x82: {  	v4 =	vmul.u32 $0x18, v62  }
0x83: {  	v3 =	vand.u32 $0x7, v3  }
0x84: {  	v3 =	vor.u32 v3, v4  }
0x85: {  	v4 =	vperm.xlane v3, v0;
	_ =	sdelay $0x1  }
0x86: {  	v4 =	vadd.s32 v1, v4;
	_ =	sdelay $0x1  }
0x87: {  	v3 =	vperm.xlane v3, v2;
	_ =	sdelay $0x1  }
0x88: {  	v3 =	vadd.s32 v1, v3  }
0x89: {  	[hbm4b:s2+s3] =	stream.indirect_vreg.scatter [tilespmem:s23], [sflag:$0x1], $0x80, v4, vm0, $0xb8;
	[tilespmem:$0xC080] =	vst v63  }
0x8a: {  	_ = 	snop  }
0x8b: {  	[hbm4b:s4+s3] =	stream.indirect_vreg.scatter [tilespmem:s24], [sflag:$0x1], $0x80, v4, vm1, $0xb8;
	[tilespmem:$0xC080] =	vst v63  }
0x8c: {  	_ = 	snop  }
0x8d: {  	[hbm4b:s2+s3] =	stream.indirect_vreg.scatter [tilespmem:s25], [sflag:$0x1], $0x80, v3, vm0, $0xb8;
	[tilespmem:$0xC080] =	vst v63  }
0x8e: {  	_ = 	snop  }
0x8f: {  	[hbm4b:s4+s3] =	stream.indirect_vreg.scatter [tilespmem:s26], [sflag:$0x1], $0x80, v3, vm1, $0xb8;
	[tilespmem:$0xC080] =	vst v63  }
0x90: {  	v3 =	vld [tilespmem:$0x70];
	_ =	sdelay $0x4  }
0x91: {  	v63 =	vshrl.u32 v3, $0x3  }
0x92: {  	v4 =	vmul.u32 $0x18, v63  }
0x93: {  	v3 =	vand.u32 $0x7, v3  }
0x94: {  	v3 =	vor.u32 v3, v4  }
0x95: {  	v4 =	vperm.xlane v3, v0;
	_ =	sdelay $0x1  }
0x96: {  	v4 =	vadd.s32 v1, v4;
	_ =	sdelay $0x1  }
0x97: {  	v3 =	vperm.xlane v3, v2;
	_ =	sdelay $0x1  }
0x98: {  	v3 =	vadd.s32 v1, v3  }
0x99: {  	[hbm4b:s2+s3] =	stream.indirect_vreg.scatter [tilespmem:s28], [sflag:$0x1], $0x80, v4, vm0, $0xb8;
	[tilespmem:$0xC080] =	vst v63  }
0x9a: {  	_ = 	snop  }
0x9b: {  	[hbm4b:s4+s3] =	stream.indirect_vreg.scatter [tilespmem:s29], [sflag:$0x1], $0x80, v4, vm1, $0xb8;
	[tilespmem:$0xC080] =	vst v63  }
0x9c: {  	p0 =	sne.s32 s5, $0x1  }
0x9d: {  	[hbm4b:s2+s3] =	stream.indirect_vreg.scatter [tilespmem:s30], [sflag:$0x1], $0x80, v3, vm0, $0xb8;
	[tilespmem:$0xC080] =	vst v63  }
.Ltmp0:
0x9e: {  	_ = 	snop;
	(pc) =	sbr.rel @p0 .LBB2_1-.Ltmp0, $4  }
0x9f: {  	[hbm4b:s4+s3] =	stream.indirect_vreg.scatter [tilespmem:s31], [sflag:$0x1], $0x80, v3, vm1, $0xb8;
	[tilespmem:$0xC080] =	vst v63  }
0xa0: {  	_ =	swait.ge [sflag:s1], $0xC000  }
0xa1: {  	[sflag:s1] =	ssyncset.done $0x0  }
0xa2: {  	s5 =	sadd.s32 $0xFFFFFFFF, s5;
	[sflag:s1] =	ssyncadd.s32 $0xFFFF4000  }
0xa3: {  	_ =	sfence.sel $0x180000  }
0xa4: {  	[bflag:$0x0] =	sbarrier.arrive $0xFFFF  }
0xa5: {  	_ =	strace $0x90000047  }
0xa6: {  	s0 =	stileid.u32;
	[bflag:$0x2] =	sbarrier.arrive $0xFFFF  }
0xa7: {  	p0 =	sne.s32 s0, $0x0;
	s0 =	rddreg [dreg:$0x2]  }
0xa8: {  	s0 =	sadd.s32 @!p0 $0x100000, s0  }
0xa9: {  	[sflag:s0] =	ssyncadd.tile.s32 @!p0 $0x1;
	_ =	shalt  }
.Lfunc_end2:
_tile_overlayer_lowered:
.L_overlay_start_2:
0xaa: {  	(tag) =	ssettag $0x2  }
0xab: {  	s0 =	rddreg [dreg:$0x0];
	s2 =	stileid.u32  }
0xac: {  	s1 =	rddreg [dreg:$0x1];
	p0 =	sne.s32 s2, $0x0  }
0xad: {  	s3 =	rddreg [dreg:$0x2];
	[bflag:$0x3] =	sbarrier.arrive $0xFFFF;
	s2 =	simm.s32 @!p0 $0x1C02  }
0xae: {  	[timem:s3], [sflag:s2] =	dma.local @!p0 [hbm:s0], s1  }
0xaf: {  	s0 =	simm.s32 @!p0 $0x2  }
0xb0: {  	_ =	swait.ge @!p0 [sflag:s0], s1  }
0xb1: {  	s1 =	ssub.s32 @!p0 $0x0, s1;
	[sflag:s0] =	ssyncset.done @!p0 $0x0  }
0xb2: {  	[sflag:s0] =	ssyncadd.s32 @!p0 s1  }
0xb3: {  	[bflag:$0x3] =	sbarrier.arrive $0xFFFF  }
0xb4: {  	_ =	shalt  }

</sc_bundles>
